<compile_context>
chip_gen: v7x
topology: tpu7x:2x2x1
jax: 0.10.2.dev20260603
libtpu: 0.0.44.dev20260713+nightly
codegen_flags: <defaults>
</compile_context>

<pallas_src>
import functools

import jax
import jax.numpy as jnp
from jax import lax
from jax.experimental import pallas as pl
from jax.experimental.pallas import tpu as pltpu
from jax.experimental.pallas import tpu_sc as plsc

NUM_USERS = 100000
EMBED_DIM = 1152
HIDDEN_DIM = 512
BATCH = 4096

_NC = 2
_NS = 16
_NW = _NC * _NS
_CHUNK = 64


def _sc_gather(table, idx, offset, batch):
    b_per_w = batch // _NW
    chunk = min(_CHUNK, b_per_w)

    @functools.partial(
        pl.kernel,
        mesh=plsc.VectorSubcoreMesh(core_axis_name="c", subcore_axis_name="s"),
        out_type=jax.ShapeDtypeStruct((batch, EMBED_DIM), jnp.float32),
        scratch_types=[
            pltpu.VMEM((b_per_w,), jnp.int32),
            pltpu.VMEM((chunk, EMBED_DIM), jnp.float32),
            pltpu.SemaphoreType.DMA,
        ],
    )
    def k(table_hbm, idx_hbm, out_hbm, idx_v, rows_v, sem):
        wid = lax.axis_index("s") * _NC + lax.axis_index("c")
        base = wid * b_per_w
        pltpu.sync_copy(idx_hbm.at[pl.ds(offset + base, b_per_w)], idx_v)
        for c in range(b_per_w // chunk):
            off = c * chunk
            pltpu.async_copy(
                table_hbm.at[idx_v.at[pl.ds(off, chunk)]], rows_v, sem
            ).wait()
            pltpu.sync_copy(rows_v, out_hbm.at[pl.ds(base + off, chunk)])

    return k(table, idx)


_BT = 512
_SUB = 256


def _mlp_math(x_ref, w1_ref, b1_ref, g1_ref, be1_ref, w2_ref, b2_ref,
              g2_ref, be2_ref, o_ref):
    for s in range(_BT // _SUB):
        sl = pl.ds(s * _SUB, _SUB)
        x = x_ref[sl, :].astype(jnp.bfloat16)
        h = jnp.dot(x, w1_ref[...], preferred_element_type=jnp.float32)
        h = h + b1_ref[...]
        mu = jnp.mean(h, axis=-1, keepdims=True)
        m2 = jnp.mean(h * h, axis=-1, keepdims=True)
        inv = lax.rsqrt(m2 - mu * mu + 1e-5)
        h = (h - mu) * inv * g1_ref[...] + be1_ref[...]
        h = jnp.maximum(h, 0.0)
        y = jnp.dot(h.astype(jnp.bfloat16), w2_ref[...],
                    preferred_element_type=jnp.float32)
        y = y + b2_ref[...]
        mu2 = jnp.mean(y, axis=-1, keepdims=True)
        m22 = jnp.mean(y * y, axis=-1, keepdims=True)
        inv2 = lax.rsqrt(m22 - mu2 * mu2 + 1e-5)
        o_ref[sl, :] = (y - mu2) * inv2 * g2_ref[...] + be2_ref[...]


def _weight_specs():
    full = lambda shape: pl.BlockSpec(shape, lambda i: (0, 0))
    return [
        full((EMBED_DIM, HIDDEN_DIM)),
        full((1, HIDDEN_DIM)),
        full((1, HIDDEN_DIM)),
        full((1, HIDDEN_DIM)),
        full((HIDDEN_DIM, EMBED_DIM)),
        full((1, EMBED_DIM)),
        full((1, EMBED_DIM)),
        full((1, EMBED_DIM)),
    ]


def _tc_mlp_first(x, chunk, *weights):
    grid = (chunk // _BT,)
    return pl.pallas_call(
        _mlp_math,
        grid=grid,
        in_specs=[pl.BlockSpec((_BT, EMBED_DIM), lambda i: (i, 0))]
        + _weight_specs(),
        out_specs=pl.BlockSpec((_BT, EMBED_DIM), lambda i: (i, 0)),
        out_shape=jax.ShapeDtypeStruct((BATCH, EMBED_DIM), jnp.float32),
        compiler_params=pltpu.CompilerParams(
            dimension_semantics=("arbitrary",),
        ),
    )(x, *weights)


def _mlp_math_tail(prev_ref, *rest):
    _mlp_math(*rest)


def _tc_mlp_next(prev, x, row0, chunk, *weights):
    base = row0 // _BT
    grid = (chunk // _BT,)
    return pl.pallas_call(
        _mlp_math_tail,
        grid=grid,
        in_specs=[
            pl.BlockSpec(memory_space=pl.ANY),
            pl.BlockSpec((_BT, EMBED_DIM), lambda i: (i, 0)),
        ]
        + _weight_specs(),
        out_specs=pl.BlockSpec((_BT, EMBED_DIM), lambda i: (i + base, 0)),
        out_shape=jax.ShapeDtypeStruct((BATCH, EMBED_DIM), jnp.float32),
        input_output_aliases={0: 0},
        compiler_params=pltpu.CompilerParams(
            dimension_semantics=("arbitrary",),
        ),
    )(prev, x, *weights)


_CHUNKS = (1536, 2560)


def kernel(user_classes, table, W1, b1, g1, be1, W2, b2, g2, be2):
    idx = user_classes.astype(jnp.int32)
    offs = [sum(_CHUNKS[:i]) for i in range(len(_CHUNKS))]
    gathered = [_sc_gather(table, idx, o, c) for o, c in zip(offs, _CHUNKS)]
    weights = (W1.astype(jnp.bfloat16), b1.reshape(1, -1), g1.reshape(1, -1),
               be1.reshape(1, -1), W2.astype(jnp.bfloat16), b2.reshape(1, -1),
               g2.reshape(1, -1), be2.reshape(1, -1))
    out = _tc_mlp_first(gathered[0], _CHUNKS[0], *weights)
    for o, c, g in zip(offs[1:], _CHUNKS[1:], gathered[1:]):
        out = _tc_mlp_next(out, g, o, c, *weights)
    return out

# --- scband reference (transcript-rebuilt; emitter-appended) ---
"""Pipeline reference for scband-user-condition-encoder-2980707303620 (READ-ONLY COPY).

The authoritative reference and input builder live on the scoring server;
editing this copy changes nothing except your own understanding.
"""

import jax, jax.numpy as jnp
import numpy as np

NUM_USERS = 100000
EMBED_DIM = 1152
HIDDEN_DIM = 512
BATCH = 4096

def _layernorm(x, gamma, beta, eps=1e-5):
    mu = jnp.mean(x, axis=-1, keepdims=True)
    var = jnp.var(x, axis=-1, keepdims=True)
    return (x - mu) / jnp.sqrt(var + eps) * gamma + beta

def setup_inputs(seed: int = 0) -> dict:
    key = jax.random.key(seed)
    ks = jax.random.split(key, 8)
    user_classes = jax.random.randint(ks[0], (BATCH,), 0, NUM_USERS, dtype=jnp.int64) if jax.config.jax_enable_x64 else jax.random.randint(ks[0], (BATCH,), 0, NUM_USERS, dtype=jnp.int32)
    table = jax.random.normal(ks[1], (NUM_USERS, EMBED_DIM), dtype=jnp.float32) * 0.02
    W1 = jax.random.normal(ks[2], (EMBED_DIM, HIDDEN_DIM), dtype=jnp.float32) * (1.0 / np.sqrt(EMBED_DIM))
    b1 = jnp.zeros((HIDDEN_DIM,), dtype=jnp.float32)
    g1 = jnp.ones((HIDDEN_DIM,), dtype=jnp.float32)
    be1 = jnp.zeros((HIDDEN_DIM,), dtype=jnp.float32)
    W2 = jax.random.normal(ks[3], (HIDDEN_DIM, EMBED_DIM), dtype=jnp.float32) * (1.0 / np.sqrt(HIDDEN_DIM))
    b2 = jnp.zeros((EMBED_DIM,), dtype=jnp.float32)
    g2 = jnp.ones((EMBED_DIM,), dtype=jnp.float32)
    be2 = jnp.zeros((EMBED_DIM,), dtype=jnp.float32)
    return {"user_classes": user_classes, "table": table, "W1": W1, "b1": b1, "g1": g1, "be1": be1, "W2": W2, "b2": b2, "g2": g2, "be2": be2}

def reference(user_classes, table, W1, b1, g1, be1, W2, b2, g2, be2):
    # embedding lookup (gather)
    user_embed = jnp.take(table, user_classes, axis=0)
    # feature_net: Linear -> LayerNorm -> ReLU -> Dropout(eval: identity) -> Linear -> LayerNorm
    h = user_embed @ W1 + b1
    h = _layernorm(h, g1, be1)
    h = jax.nn.relu(h)
    h = h @ W2 + b2
    out = _layernorm(h, g2, be2)
    return out

if __name__ == "__main__":
    import jax
    _d = setup_inputs()
    print(jax.jit(kernel)(*tuple(_d.values())))

</pallas_src>

<mosaic_0001>
#map = affine_map<(d0, d1) -> (0, 0)>
#map1 = affine_map<(d0, d1) -> (0)>
module attributes {stable_mosaic.version = 14 : i64} {
  func.func @k(%arg0: i32, %arg1: i32, %arg2: memref<100000x1152xf32, #tpu.memory_space<hbm>>, %arg3: memref<4096xi32, #tpu.memory_space<hbm>>, %arg4: memref<1536x1152xf32, #tpu.memory_space<hbm>>, %arg5: memref<48xi32, #tpu.memory_space<vmem>>, %arg6: memref<48x1152xf32, #tpu.memory_space<vmem>>, %arg7: memref<!tpu.dma_semaphore, #tpu.memory_space<semaphore_mem>>) attributes {dimension_semantics = [#tpu.dimension_semantics<core_parallel>, #tpu.dimension_semantics<subcore_parallel>], iteration_bounds = array<i64: 2, 16>, scalar_prefetch = 0 : i64, scratch_operands = 3 : i64, tpu.core_type = #tpu.core_type<sc_vector_subcore>, window_params = [{transform_indices = #map}, {transform_indices = #map1}, {transform_indices = #map}]} {
    %mul3A = arith.constant 2 : i32
    %mul3A_0 = arith.muli %arg1, %mul3A : i32
    %add3A = arith.addi %mul3A_0, %arg0 : i32
    %mul3A_1 = arith.constant 48 : i32
    %mul3A_2 = arith.muli %add3A, %mul3A_1 : i32
    %add3A_3 = arith.constant 0 : i32
    %add3A_4 = arith.addi %add3A_3, %mul3A_2 : i32
    "tpu.region"() ({
      %run_scoped3A = tpu.sem_alloc : memref<!tpu.dma_semaphore, #tpu.memory_space<semaphore_mem>>
      %dma_start3A_15 = tpu.memref_slice %arg3[%add3A_4] : memref<4096xi32, #tpu.memory_space<hbm>> -> memref<48xi32, #tpu.memory_space<hbm>>
      %dma_start3A_16 = tpu.memref_slice %arg3[%add3A_4] : memref<4096xi32, #tpu.memory_space<hbm>> -> memref<48xi32, #tpu.memory_space<hbm>>
      tpu.enqueue_dma source(%dma_start3A_16 : memref<48xi32, #tpu.memory_space<hbm>>) target(%arg5 : memref<48xi32, #tpu.memory_space<vmem>>) target_semaphore(%run_scoped3A : memref<!tpu.dma_semaphore, #tpu.memory_space<semaphore_mem>>)
      %dma_wait3A_17 = tpu.memref_slice %arg3[%add3A_4] : memref<4096xi32, #tpu.memory_space<hbm>> -> memref<48xi32, #tpu.memory_space<hbm>>
      %dma_wait3A_18 = tpu.memref_slice %arg3[%add3A_4] : memref<4096xi32, #tpu.memory_space<hbm>> -> memref<48xi32, #tpu.memory_space<hbm>>
      tpu.wait_dma2 semaphore(%run_scoped3A : memref<!tpu.dma_semaphore, #tpu.memory_space<semaphore_mem>>) src(%dma_wait3A_18 : memref<48xi32, #tpu.memory_space<hbm>>) dst(%arg5 : memref<48xi32, #tpu.memory_space<vmem>>)
      tpu.yield
    }) : () -> ()
    %dma_start3A = arith.constant 0 : i32
    %dma_start3A_5 = tpu.memref_slice %arg5[%dma_start3A] : memref<48xi32, #tpu.memory_space<vmem>> -> memref<48xi32, #tpu.memory_space<vmem>>
    %dma_start3A_6 = arith.constant 0 : i32
    %dma_start3A_7 = arith.constant 0 : i32
    %dma_start3A_8 = tpu.memref_slice %arg2[%dma_start3A_6, %dma_start3A_7] : memref<100000x1152xf32, #tpu.memory_space<hbm>> -> memref<100000x1152xf32, #tpu.memory_space<hbm>>
    tpu.enqueue_indirect_dma source(%dma_start3A_8 : memref<100000x1152xf32, #tpu.memory_space<hbm>>) target(%arg6 : memref<48x1152xf32, #tpu.memory_space<vmem>>) offsets(%dma_start3A_5 : memref<48xi32, #tpu.memory_space<vmem>>) semaphore(%arg7 : memref<!tpu.dma_semaphore, #tpu.memory_space<semaphore_mem>>)
    %dma_wait3A = arith.constant 0 : i32
    %dma_wait3A_9 = tpu.memref_slice %arg5[%dma_wait3A] : memref<48xi32, #tpu.memory_space<vmem>> -> memref<48xi32, #tpu.memory_space<vmem>>
    %dma_wait3A_10 = arith.constant 0 : i32
    %dma_wait3A_11 = arith.constant 0 : i32
    %dma_wait3A_12 = tpu.memref_slice %arg2[%dma_wait3A_10, %dma_wait3A_11] : memref<100000x1152xf32, #tpu.memory_space<hbm>> -> memref<100000x1152xf32, #tpu.memory_space<hbm>>
    tpu.wait_indirect_dma semaphore(%arg7 : memref<!tpu.dma_semaphore, #tpu.memory_space<semaphore_mem>>) src(%dma_wait3A_12 : memref<100000x1152xf32, #tpu.memory_space<hbm>>) dst(%arg6 : memref<48x1152xf32, #tpu.memory_space<vmem>>)
    %add3A_13 = arith.constant 0 : i32
    %add3A_14 = arith.addi %mul3A_2, %add3A_13 : i32
    "tpu.region"() ({
      %run_scoped3A = tpu.sem_alloc : memref<!tpu.dma_semaphore, #tpu.memory_space<semaphore_mem>>
      %dma_start3A_15 = arith.constant 0 : i32
      %dma_start3A_16 = tpu.memref_slice %arg4[%add3A_14, %dma_start3A_15] : memref<1536x1152xf32, #tpu.memory_space<hbm>> -> memref<48x1152xf32, #tpu.memory_space<hbm>>
      %dma_start3A_17 = arith.constant 0 : i32
      %dma_start3A_18 = tpu.memref_slice %arg4[%add3A_14, %dma_start3A_17] : memref<1536x1152xf32, #tpu.memory_space<hbm>> -> memref<48x1152xf32, #tpu.memory_space<hbm>>
      tpu.enqueue_dma source(%arg6 : memref<48x1152xf32, #tpu.memory_space<vmem>>) target(%dma_start3A_18 : memref<48x1152xf32, #tpu.memory_space<hbm>>) target_semaphore(%run_scoped3A : memref<!tpu.dma_semaphore, #tpu.memory_space<semaphore_mem>>)
      %dma_wait3A_19 = arith.constant 0 : i32
      %dma_wait3A_20 = tpu.memref_slice %arg4[%add3A_14, %dma_wait3A_19] : memref<1536x1152xf32, #tpu.memory_space<hbm>> -> memref<48x1152xf32, #tpu.memory_space<hbm>>
      %dma_wait3A_21 = arith.constant 0 : i32
      %dma_wait3A_22 = tpu.memref_slice %arg4[%add3A_14, %dma_wait3A_21] : memref<1536x1152xf32, #tpu.memory_space<hbm>> -> memref<48x1152xf32, #tpu.memory_space<hbm>>
      tpu.wait_dma2 semaphore(%run_scoped3A : memref<!tpu.dma_semaphore, #tpu.memory_space<semaphore_mem>>) src(%arg6 : memref<48x1152xf32, #tpu.memory_space<vmem>>) dst(%dma_wait3A_22 : memref<48x1152xf32, #tpu.memory_space<hbm>>)
      tpu.yield
    }) : () -> ()
    return
  }
}

#map = affine_map<(d0, d1) -> (0, 0)>
#map1 = affine_map<(d0, d1) -> (0)>
module attributes {stable_mosaic.version = 14 : i64} {
  func.func @k(%arg0: i32, %arg1: i32, %arg2: memref<100000x1152xf32, #tpu.memory_space<hbm>>, %arg3: memref<4096xi32, #tpu.memory_space<hbm>>, %arg4: memref<2560x1152xf32, #tpu.memory_space<hbm>>, %arg5: memref<80xi32, #tpu.memory_space<vmem>>, %arg6: memref<64x1152xf32, #tpu.memory_space<vmem>>, %arg7: memref<!tpu.dma_semaphore, #tpu.memory_space<semaphore_mem>>) attributes {dimension_semantics = [#tpu.dimension_semantics<core_parallel>, #tpu.dimension_semantics<subcore_parallel>], iteration_bounds = array<i64: 2, 16>, scalar_prefetch = 0 : i64, scratch_operands = 3 : i64, tpu.core_type = #tpu.core_type<sc_vector_subcore>, window_params = [{transform_indices = #map}, {transform_indices = #map1}, {transform_indices = #map}]} {
    %mul3A = arith.constant 2 : i32
    %mul3A_0 = arith.muli %arg1, %mul3A : i32
    %add3A = arith.addi %mul3A_0, %arg0 : i32
    %mul3A_1 = arith.constant 80 : i32
    %mul3A_2 = arith.muli %add3A, %mul3A_1 : i32
    %add3A_3 = arith.constant 1536 : i32
    %add3A_4 = arith.addi %add3A_3, %mul3A_2 : i32
    "tpu.region"() ({
      %run_scoped3A = tpu.sem_alloc : memref<!tpu.dma_semaphore, #tpu.memory_space<semaphore_mem>>
      %dma_start3A_15 = tpu.memref_slice %arg3[%add3A_4] : memref<4096xi32, #tpu.memory_space<hbm>> -> memref<80xi32, #tpu.memory_space<hbm>>
      %dma_start3A_16 = tpu.memref_slice %arg3[%add3A_4] : memref<4096xi32, #tpu.memory_space<hbm>> -> memref<80xi32, #tpu.memory_space<hbm>>
      tpu.enqueue_dma source(%dma_start3A_16 : memref<80xi32, #tpu.memory_space<hbm>>) target(%arg5 : memref<80xi32, #tpu.memory_space<vmem>>) target_semaphore(%run_scoped3A : memref<!tpu.dma_semaphore, #tpu.memory_space<semaphore_mem>>)
      %dma_wait3A_17 = tpu.memref_slice %arg3[%add3A_4] : memref<4096xi32, #tpu.memory_space<hbm>> -> memref<80xi32, #tpu.memory_space<hbm>>
      %dma_wait3A_18 = tpu.memref_slice %arg3[%add3A_4] : memref<4096xi32, #tpu.memory_space<hbm>> -> memref<80xi32, #tpu.memory_space<hbm>>
      tpu.wait_dma2 semaphore(%run_scoped3A : memref<!tpu.dma_semaphore, #tpu.memory_space<semaphore_mem>>) src(%dma_wait3A_18 : memref<80xi32, #tpu.memory_space<hbm>>) dst(%arg5 : memref<80xi32, #tpu.memory_space<vmem>>)
      tpu.yield
    }) : () -> ()
    %dma_start3A = arith.constant 0 : i32
    %dma_start3A_5 = tpu.memref_slice %arg5[%dma_start3A] : memref<80xi32, #tpu.memory_space<vmem>> -> memref<64xi32, #tpu.memory_space<vmem>>
    %dma_start3A_6 = arith.constant 0 : i32
    %dma_start3A_7 = arith.constant 0 : i32
    %dma_start3A_8 = tpu.memref_slice %arg2[%dma_start3A_6, %dma_start3A_7] : memref<100000x1152xf32, #tpu.memory_space<hbm>> -> memref<100000x1152xf32, #tpu.memory_space<hbm>>
    tpu.enqueue_indirect_dma source(%dma_start3A_8 : memref<100000x1152xf32, #tpu.memory_space<hbm>>) target(%arg6 : memref<64x1152xf32, #tpu.memory_space<vmem>>) offsets(%dma_start3A_5 : memref<64xi32, #tpu.memory_space<vmem>>) semaphore(%arg7 : memref<!tpu.dma_semaphore, #tpu.memory_space<semaphore_mem>>)
    %dma_wait3A = arith.constant 0 : i32
    %dma_wait3A_9 = tpu.memref_slice %arg5[%dma_wait3A] : memref<80xi32, #tpu.memory_space<vmem>> -> memref<64xi32, #tpu.memory_space<vmem>>
    %dma_wait3A_10 = arith.constant 0 : i32
    %dma_wait3A_11 = arith.constant 0 : i32
    %dma_wait3A_12 = tpu.memref_slice %arg2[%dma_wait3A_10, %dma_wait3A_11] : memref<100000x1152xf32, #tpu.memory_space<hbm>> -> memref<100000x1152xf32, #tpu.memory_space<hbm>>
    tpu.wait_indirect_dma semaphore(%arg7 : memref<!tpu.dma_semaphore, #tpu.memory_space<semaphore_mem>>) src(%dma_wait3A_12 : memref<100000x1152xf32, #tpu.memory_space<hbm>>) dst(%arg6 : memref<64x1152xf32, #tpu.memory_space<vmem>>)
    %add3A_13 = arith.constant 0 : i32
    %add3A_14 = arith.addi %mul3A_2, %add3A_13 : i32
    "tpu.region"() ({
      %run_scoped3A = tpu.sem_alloc : memref<!tpu.dma_semaphore, #tpu.memory_space<semaphore_mem>>
      %dma_start3A_15 = arith.constant 0 : i32
      %dma_start3A_16 = tpu.memref_slice %arg4[%add3A_14, %dma_start3A_15] : memref<2560x1152xf32, #tpu.memory_space<hbm>> -> memref<64x1152xf32, #tpu.memory_space<hbm>>
      %dma_start3A_17 = arith.constant 0 : i32
      %dma_start3A_18 = tpu.memref_slice %arg4[%add3A_14, %dma_start3A_17] : memref<2560x1152xf32, #tpu.memory_space<hbm>> -> memref<64x1152xf32, #tpu.memory_space<hbm>>
      tpu.enqueue_dma source(%arg6 : memref<64x1152xf32, #tpu.memory_space<vmem>>) target(%dma_start3A_18 : memref<64x1152xf32, #tpu.memory_space<hbm>>) target_semaphore(%run_scoped3A : memref<!tpu.dma_semaphore, #tpu.memory_space<semaphore_mem>>)
      %dma_wait3A_19 = arith.constant 0 : i32
      %dma_wait3A_20 = tpu.memref_slice %arg4[%add3A_14, %dma_wait3A_19] : memref<2560x1152xf32, #tpu.memory_space<hbm>> -> memref<64x1152xf32, #tpu.memory_space<hbm>>
      %dma_wait3A_21 = arith.constant 0 : i32
      %dma_wait3A_22 = tpu.memref_slice %arg4[%add3A_14, %dma_wait3A_21] : memref<2560x1152xf32, #tpu.memory_space<hbm>> -> memref<64x1152xf32, #tpu.memory_space<hbm>>
      tpu.wait_dma2 semaphore(%run_scoped3A : memref<!tpu.dma_semaphore, #tpu.memory_space<semaphore_mem>>) src(%arg6 : memref<64x1152xf32, #tpu.memory_space<vmem>>) dst(%dma_wait3A_22 : memref<64x1152xf32, #tpu.memory_space<hbm>>)
      tpu.yield
    }) : () -> ()
    return
  }
}

module attributes {stable_mosaic.version = 14 : i64} {
  func.func @_mlp_math_tail(%arg0: i32, %arg1: memref<4096x1152xf32, #tpu.memory_space<any>>, %arg2: memref<512x1152xf32, #tpu.memory_space<vmem>>, %arg3: memref<1152x512xbf16, #tpu.memory_space<vmem>>, %arg4: memref<1x512xf32, #tpu.memory_space<vmem>>, %arg5: memref<1x512xf32, #tpu.memory_space<vmem>>, %arg6: memref<1x512xf32, #tpu.memory_space<vmem>>, %arg7: memref<512x1152xbf16, #tpu.memory_space<vmem>>, %arg8: memref<1x1152xf32, #tpu.memory_space<vmem>>, %arg9: memref<1x1152xf32, #tpu.memory_space<vmem>>, %arg10: memref<1x1152xf32, #tpu.memory_space<vmem>>, %arg11: memref<512x1152xf32, #tpu.memory_space<vmem>>) attributes {dimension_semantics = [#tpu.dimension_semantics<arbitrary>], iteration_bounds = array<i64: 5>, scalar_prefetch = 0 : i64, scratch_operands = 0 : i64, tpu.core_type = #tpu.core_type<tc>, window_params = [{}, {transform_indices = @transform_1, window_bounds = array<i64: 512, 1152>}, {pipeline_mode = #tpu.pipeline_mode<synchronous>, transform_indices = @transform_2, window_bounds = array<i64: 1152, 512>}, {pipeline_mode = #tpu.pipeline_mode<synchronous>, transform_indices = @transform_3, window_bounds = array<i64: 1, 512>}, {pipeline_mode = #tpu.pipeline_mode<synchronous>, transform_indices = @transform_4, window_bounds = array<i64: 1, 512>}, {pipeline_mode = #tpu.pipeline_mode<synchronous>, transform_indices = @transform_5, window_bounds = array<i64: 1, 512>}, {pipeline_mode = #tpu.pipeline_mode<synchronous>, transform_indices = @transform_6, window_bounds = array<i64: 512, 1152>}, {pipeline_mode = #tpu.pipeline_mode<synchronous>, transform_indices = @transform_7, window_bounds = array<i64: 1, 1152>}, {pipeline_mode = #tpu.pipeline_mode<synchronous>, transform_indices = @transform_8, window_bounds = array<i64: 1, 1152>}, {pipeline_mode = #tpu.pipeline_mode<synchronous>, transform_indices = @transform_9, window_bounds = array<i64: 1, 1152>}, {transform_indices = @transform_10, window_bounds = array<i64: 512, 1152>}]} {
    %get3A = arith.constant 0 : index
    %get3A_0 = arith.constant 0 : index
    %get3A_1 = vector.load %arg2[%get3A, %get3A_0] : memref<512x1152xf32, #tpu.memory_space<vmem>>, vector<256x1152xf32>
    %convert_element_type3A = arith.truncf %get3A_1 : vector<256x1152xf32> to vector<256x1152xbf16>
    %get3A_2 = arith.constant 0 : index
    %get3A_3 = arith.constant 0 : index
    %get3A_4 = vector.load %arg3[%get3A_2, %get3A_3] : memref<1152x512xbf16, #tpu.memory_space<vmem>>, vector<1152x512xbf16>
    %dot_general3A = arith.constant dense<0.000000e+00> : vector<256x512xf32>
    %dot_general3A_5 = tpu.matmul %convert_element_type3A, %get3A_4, %dot_general3A {dimension_numbers = #tpu.dot_dimension_numbers<[1], [0], [0], [1], [0, 0, 1, 1], [], []>, transpose_lhs_hint = false} : vector<256x1152xbf16>, vector<1152x512xbf16>, vector<256x512xf32> -> vector<256x512xf32>
    %get3A_6 = arith.constant 0 : index
    %get3A_7 = arith.constant 0 : index
    %get3A_8 = vector.load %arg4[%get3A_6, %get3A_7] : memref<1x512xf32, #tpu.memory_space<vmem>>, vector<1x512xf32>
    %add3A = vector.broadcast %get3A_8 : vector<1x512xf32> to vector<256x512xf32>
    %add3A_9 = arith.addf %dot_general3A_5, %add3A : vector<256x512xf32>
    %reduce_sum3A = arith.constant dense<0.000000e+00> : vector<256xf32>
    %reduce_sum3A_10 = vector.multi_reduction <add>, %add3A_9, %reduce_sum3A [1] : vector<256x512xf32> to vector<256xf32>
    %broadcast_in_dim3A = vector.shape_cast %reduce_sum3A_10 : vector<256xf32> to vector<256x1xf32>
    %div3A = arith.constant 5.120000e+02 : f32
    %div3A_11 = vector.broadcast %div3A : f32 to vector<256x1xf32>
    %div3A_12 = arith.divf %broadcast_in_dim3A, %div3A_11 : vector<256x1xf32>
    %mul3A = arith.mulf %add3A_9, %add3A_9 : vector<256x512xf32>
    %reduce_sum3A_13 = arith.constant dense<0.000000e+00> : vector<256xf32>
    %reduce_sum3A_14 = vector.multi_reduction <add>, %mul3A, %reduce_sum3A_13 [1] : vector<256x512xf32> to vector<256xf32>
    %broadcast_in_dim3A_15 = vector.shape_cast %reduce_sum3A_14 : vector<256xf32> to vector<256x1xf32>
    %div3A_16 = arith.constant 5.120000e+02 : f32
    %div3A_17 = vector.broadcast %div3A_16 : f32 to vector<256x1xf32>
    %div3A_18 = arith.divf %broadcast_in_dim3A_15, %div3A_17 : vector<256x1xf32>
    %mul3A_19 = arith.mulf %div3A_12, %div3A_12 : vector<256x1xf32>
    %sub3A = arith.subf %div3A_18, %mul3A_19 : vector<256x1xf32>
    %add3A_20 = arith.constant 9.99999974E-6 : f32
    %add3A_21 = vector.broadcast %add3A_20 : f32 to vector<256x1xf32>
    %add3A_22 = arith.addf %sub3A, %add3A_21 : vector<256x1xf32>
    %rsqrt3A = math.rsqrt %add3A_22 : vector<256x1xf32>
    %sub3A_23 = vector.broadcast %div3A_12 : vector<256x1xf32> to vector<256x512xf32>
    %sub3A_24 = arith.subf %add3A_9, %sub3A_23 : vector<256x512xf32>
    %mul3A_25 = vector.broadcast %rsqrt3A : vector<256x1xf32> to vector<256x512xf32>
    %mul3A_26 = arith.mulf %sub3A_24, %mul3A_25 : vector<256x512xf32>
    %get3A_27 = arith.constant 0 : index
    %get3A_28 = arith.constant 0 : index
    %get3A_29 = vector.load %arg5[%get3A_27, %get3A_28] : memref<1x512xf32, #tpu.memory_space<vmem>>, vector<1x512xf32>
    %mul3A_30 = vector.broadcast %get3A_29 : vector<1x512xf32> to vector<256x512xf32>
    %mul3A_31 = arith.mulf %mul3A_26, %mul3A_30 : vector<256x512xf32>
    %get3A_32 = arith.constant 0 : index
    %get3A_33 = arith.constant 0 : index
    %get3A_34 = vector.load %arg6[%get3A_32, %get3A_33] : memref<1x512xf32, #tpu.memory_space<vmem>>, vector<1x512xf32>
    %add3A_35 = vector.broadcast %get3A_34 : vector<1x512xf32> to vector<256x512xf32>
    %add3A_36 = arith.addf %mul3A_31, %add3A_35 : vector<256x512xf32>
    %max3A = arith.constant 0.000000e+00 : f32
    %max3A_37 = vector.broadcast %max3A : f32 to vector<256x512xf32>
    %max3A_38 = arith.maximumf %add3A_36, %max3A_37 : vector<256x512xf32>
    %convert_element_type3A_39 = arith.truncf %max3A_38 : vector<256x512xf32> to vector<256x512xbf16>
    %get3A_40 = arith.constant 0 : index
    %get3A_41 = arith.constant 0 : index
    %get3A_42 = vector.load %arg7[%get3A_40, %get3A_41] : memref<512x1152xbf16, #tpu.memory_space<vmem>>, vector<512x1152xbf16>
    %dot_general3A_43 = arith.constant dense<0.000000e+00> : vector<256x1152xf32>
    %dot_general3A_44 = tpu.matmul %convert_element_type3A_39, %get3A_42, %dot_general3A_43 {dimension_numbers = #tpu.dot_dimension_numbers<[1], [0], [0], [1], [0, 0, 1, 1], [], []>, transpose_lhs_hint = false} : vector<256x512xbf16>, vector<512x1152xbf16>, vector<256x1152xf32> -> vector<256x1152xf32>
    %get3A_45 = arith.constant 0 : index
    %get3A_46 = arith.constant 0 : index
    %get3A_47 = vector.load %arg8[%get3A_45, %get3A_46] : memref<1x1152xf32, #tpu.memory_space<vmem>>, vector<1x1152xf32>
    %add3A_48 = vector.broadcast %get3A_47 : vector<1x1152xf32> to vector<256x1152xf32>
    %add3A_49 = arith.addf %dot_general3A_44, %add3A_48 : vector<256x1152xf32>
    %reduce_sum3A_50 = arith.constant dense<0.000000e+00> : vector<256xf32>
    %reduce_sum3A_51 = vector.multi_reduction <add>, %add3A_49, %reduce_sum3A_50 [1] : vector<256x1152xf32> to vector<256xf32>
    %broadcast_in_dim3A_52 = vector.shape_cast %reduce_sum3A_51 : vector<256xf32> to vector<256x1xf32>
    %div3A_53 = arith.constant 1.152000e+03 : f32
    %div3A_54 = vector.broadcast %div3A_53 : f32 to vector<256x1xf32>
    %div3A_55 = arith.divf %broadcast_in_dim3A_52, %div3A_54 : vector<256x1xf32>
    %mul3A_56 = arith.mulf %add3A_49, %add3A_49 : vector<256x1152xf32>
    %reduce_sum3A_57 = arith.constant dense<0.000000e+00> : vector<256xf32>
    %reduce_sum3A_58 = vector.multi_reduction <add>, %mul3A_56, %reduce_sum3A_57 [1] : vector<256x1152xf32> to vector<256xf32>
    %broadcast_in_dim3A_59 = vector.shape_cast %reduce_sum3A_58 : vector<256xf32> to vector<256x1xf32>
    %div3A_60 = arith.constant 1.152000e+03 : f32
    %div3A_61 = vector.broadcast %div3A_60 : f32 to vector<256x1xf32>
    %div3A_62 = arith.divf %broadcast_in_dim3A_59, %div3A_61 : vector<256x1xf32>
    %mul3A_63 = arith.mulf %div3A_55, %div3A_55 : vector<256x1xf32>
    %sub3A_64 = arith.subf %div3A_62, %mul3A_63 : vector<256x1xf32>
    %add3A_65 = arith.constant 9.99999974E-6 : f32
    %add3A_66 = vector.broadcast %add3A_65 : f32 to vector<256x1xf32>
    %add3A_67 = arith.addf %sub3A_64, %add3A_66 : vector<256x1xf32>
    %rsqrt3A_68 = math.rsqrt %add3A_67 : vector<256x1xf32>
    %sub3A_69 = vector.broadcast %div3A_55 : vector<256x1xf32> to vector<256x1152xf32>
    %sub3A_70 = arith.subf %add3A_49, %sub3A_69 : vector<256x1152xf32>
    %mul3A_71 = vector.broadcast %rsqrt3A_68 : vector<256x1xf32> to vector<256x1152xf32>
    %mul3A_72 = arith.mulf %sub3A_70, %mul3A_71 : vector<256x1152xf32>
    %get3A_73 = arith.constant 0 : index
    %get3A_74 = arith.constant 0 : index
    %get3A_75 = vector.load %arg9[%get3A_73, %get3A_74] : memref<1x1152xf32, #tpu.memory_space<vmem>>, vector<1x1152xf32>
    %mul3A_76 = vector.broadcast %get3A_75 : vector<1x1152xf32> to vector<256x1152xf32>
    %mul3A_77 = arith.mulf %mul3A_72, %mul3A_76 : vector<256x1152xf32>
    %get3A_78 = arith.constant 0 : index
    %get3A_79 = arith.constant 0 : index
    %get3A_80 = vector.load %arg10[%get3A_78, %get3A_79] : memref<1x1152xf32, #tpu.memory_space<vmem>>, vector<1x1152xf32>
    %add3A_81 = vector.broadcast %get3A_80 : vector<1x1152xf32> to vector<256x1152xf32>
    %add3A_82 = arith.addf %mul3A_77, %add3A_81 : vector<256x1152xf32>
    %swap3A = arith.constant 0 : index
    %swap3A_83 = arith.constant 0 : index
    %swap3A_84 = vector.load %arg11[%swap3A, %swap3A_83] : memref<512x1152xf32, #tpu.memory_space<vmem>>, vector<256x1152xf32>
    tpu.vector_store %arg11[%swap3A, %swap3A_83], %add3A_82 {strides = array<i32>} : memref<512x1152xf32, #tpu.memory_space<vmem>>, vector<256x1152xf32>,
    %get3A_85 = arith.constant 256 : index
    %get3A_86 = arith.constant 0 : index
    %get3A_87 = vector.load %arg2[%get3A_85, %get3A_86] : memref<512x1152xf32, #tpu.memory_space<vmem>>, vector<256x1152xf32>
    %convert_element_type3A_88 = arith.truncf %get3A_87 : vector<256x1152xf32> to vector<256x1152xbf16>
    %get3A_89 = arith.constant 0 : index
    %get3A_90 = arith.constant 0 : index
    %get3A_91 = vector.load %arg3[%get3A_89, %get3A_90] : memref<1152x512xbf16, #tpu.memory_space<vmem>>, vector<1152x512xbf16>
    %dot_general3A_92 = arith.constant dense<0.000000e+00> : vector<256x512xf32>
    %dot_general3A_93 = tpu.matmul %convert_element_type3A_88, %get3A_91, %dot_general3A_92 {dimension_numbers = #tpu.dot_dimension_numbers<[1], [0], [0], [1], [0, 0, 1, 1], [], []>, transpose_lhs_hint = false} : vector<256x1152xbf16>, vector<1152x512xbf16>, vector<256x512xf32> -> vector<256x512xf32>
    %get3A_94 = arith.constant 0 : index
    %get3A_95 = arith.constant 0 : index
    %get3A_96 = vector.load %arg4[%get3A_94, %get3A_95] : memref<1x512xf32, #tpu.memory_space<vmem>>, vector<1x512xf32>
    %add3A_97 = vector.broadcast %get3A_96 : vector<1x512xf32> to vector<256x512xf32>
    %add3A_98 = arith.addf %dot_general3A_93, %add3A_97 : vector<256x512xf32>
    %reduce_sum3A_99 = arith.constant dense<0.000000e+00> : vector<256xf32>
    %reduce_sum3A_100 = vector.multi_reduction <add>, %add3A_98, %reduce_sum3A_99 [1] : vector<256x512xf32> to vector<256xf32>
    %broadcast_in_dim3A_101 = vector.shape_cast %reduce_sum3A_100 : vector<256xf32> to vector<256x1xf32>
    %div3A_102 = arith.constant 5.120000e+02 : f32
    %div3A_103 = vector.broadcast %div3A_102 : f32 to vector<256x1xf32>
    %div3A_104 = arith.divf %broadcast_in_dim3A_101, %div3A_103 : vector<256x1xf32>
    %mul3A_105 = arith.mulf %add3A_98, %add3A_98 : vector<256x512xf32>
    %reduce_sum3A_106 = arith.constant dense<0.000000e+00> : vector<256xf32>
    %reduce_sum3A_107 = vector.multi_reduction <add>, %mul3A_105, %reduce_sum3A_106 [1] : vector<256x512xf32> to vector<256xf32>
    %broadcast_in_dim3A_108 = vector.shape_cast %reduce_sum3A_107 : vector<256xf32> to vector<256x1xf32>
    %div3A_109 = arith.constant 5.120000e+02 : f32
    %div3A_110 = vector.broadcast %div3A_109 : f32 to vector<256x1xf32>
    %div3A_111 = arith.divf %broadcast_in_dim3A_108, %div3A_110 : vector<256x1xf32>
    %mul3A_112 = arith.mulf %div3A_104, %div3A_104 : vector<256x1xf32>
    %sub3A_113 = arith.subf %div3A_111, %mul3A_112 : vector<256x1xf32>
    %add3A_114 = arith.constant 9.99999974E-6 : f32
    %add3A_115 = vector.broadcast %add3A_114 : f32 to vector<256x1xf32>
    %add3A_116 = arith.addf %sub3A_113, %add3A_115 : vector<256x1xf32>
    %rsqrt3A_117 = math.rsqrt %add3A_116 : vector<256x1xf32>
    %sub3A_118 = vector.broadcast %div3A_104 : vector<256x1xf32> to vector<256x512xf32>
    %sub3A_119 = arith.subf %add3A_98, %sub3A_118 : vector<256x512xf32>
    %mul3A_120 = vector.broadcast %rsqrt3A_117 : vector<256x1xf32> to vector<256x512xf32>
    %mul3A_121 = arith.mulf %sub3A_119, %mul3A_120 : vector<256x512xf32>
    %get3A_122 = arith.constant 0 : index
    %get3A_123 = arith.constant 0 : index
    %get3A_124 = vector.load %arg5[%get3A_122, %get3A_123] : memref<1x512xf32, #tpu.memory_space<vmem>>, vector<1x512xf32>
    %mul3A_125 = vector.broadcast %get3A_124 : vector<1x512xf32> to vector<256x512xf32>
    %mul3A_126 = arith.mulf %mul3A_121, %mul3A_125 : vector<256x512xf32>
    %get3A_127 = arith.constant 0 : index
    %get3A_128 = arith.constant 0 : index
    %get3A_129 = vector.load %arg6[%get3A_127, %get3A_128] : memref<1x512xf32, #tpu.memory_space<vmem>>, vector<1x512xf32>
    %add3A_130 = vector.broadcast %get3A_129 : vector<1x512xf32> to vector<256x512xf32>
    %add3A_131 = arith.addf %mul3A_126, %add3A_130 : vector<256x512xf32>
    %max3A_132 = arith.constant 0.000000e+00 : f32
    %max3A_133 = vector.broadcast %max3A_132 : f32 to vector<256x512xf32>
    %max3A_134 = arith.maximumf %add3A_131, %max3A_133 : vector<256x512xf32>
    %convert_element_type3A_135 = arith.truncf %max3A_134 : vector<256x512xf32> to vector<256x512xbf16>
    %get3A_136 = arith.constant 0 : index
    %get3A_137 = arith.constant 0 : index
    %get3A_138 = vector.load %arg7[%get3A_136, %get3A_137] : memref<512x1152xbf16, #tpu.memory_space<vmem>>, vector<512x1152xbf16>
    %dot_general3A_139 = arith.constant dense<0.000000e+00> : vector<256x1152xf32>
    %dot_general3A_140 = tpu.matmul %convert_element_type3A_135, %get3A_138, %dot_general3A_139 {dimension_numbers = #tpu.dot_dimension_numbers<[1], [0], [0], [1], [0, 0, 1, 1], [], []>, transpose_lhs_hint = false} : vector<256x512xbf16>, vector<512x1152xbf16>, vector<256x1152xf32> -> vector<256x1152xf32>
    %get3A_141 = arith.constant 0 : index
    %get3A_142 = arith.constant 0 : index
    %get3A_143 = vector.load %arg8[%get3A_141, %get3A_142] : memref<1x1152xf32, #tpu.memory_space<vmem>>, vector<1x1152xf32>
    %add3A_144 = vector.broadcast %get3A_143 : vector<1x1152xf32> to vector<256x1152xf32>
    %add3A_145 = arith.addf %dot_general3A_140, %add3A_144 : vector<256x1152xf32>
    %reduce_sum3A_146 = arith.constant dense<0.000000e+00> : vector<256xf32>
    %reduce_sum3A_147 = vector.multi_reduction <add>, %add3A_145, %reduce_sum3A_146 [1] : vector<256x1152xf32> to vector<256xf32>
    %broadcast_in_dim3A_148 = vector.shape_cast %reduce_sum3A_147 : vector<256xf32> to vector<256x1xf32>
    %div3A_149 = arith.constant 1.152000e+03 : f32
    %div3A_150 = vector.broadcast %div3A_149 : f32 to vector<256x1xf32>
    %div3A_151 = arith.divf %broadcast_in_dim3A_148, %div3A_150 : vector<256x1xf32>
    %mul3A_152 = arith.mulf %add3A_145, %add3A_145 : vector<256x1152xf32>
    %reduce_sum3A_153 = arith.constant dense<0.000000e+00> : vector<256xf32>
    %reduce_sum3A_154 = vector.multi_reduction <add>, %mul3A_152, %reduce_sum3A_153 [1] : vector<256x1152xf32> to vector<256xf32>
    %broadcast_in_dim3A_155 = vector.shape_cast %reduce_sum3A_154 : vector<256xf32> to vector<256x1xf32>
    %div3A_156 = arith.constant 1.152000e+03 : f32
    %div3A_157 = vector.broadcast %div3A_156 : f32 to vector<256x1xf32>
    %div3A_158 = arith.divf %broadcast_in_dim3A_155, %div3A_157 : vector<256x1xf32>
    %mul3A_159 = arith.mulf %div3A_151, %div3A_151 : vector<256x1xf32>
    %sub3A_160 = arith.subf %div3A_158, %mul3A_159 : vector<256x1xf32>
    %add3A_161 = arith.constant 9.99999974E-6 : f32
    %add3A_162 = vector.broadcast %add3A_161 : f32 to vector<256x1xf32>
    %add3A_163 = arith.addf %sub3A_160, %add3A_162 : vector<256x1xf32>
    %rsqrt3A_164 = math.rsqrt %add3A_163 : vector<256x1xf32>
    %sub3A_165 = vector.broadcast %div3A_151 : vector<256x1xf32> to vector<256x1152xf32>
    %sub3A_166 = arith.subf %add3A_145, %sub3A_165 : vector<256x1152xf32>
    %mul3A_167 = vector.broadcast %rsqrt3A_164 : vector<256x1xf32> to vector<256x1152xf32>
    %mul3A_168 = arith.mulf %sub3A_166, %mul3A_167 : vector<256x1152xf32>
    %get3A_169 = arith.constant 0 : index
    %get3A_170 = arith.constant 0 : index
    %get3A_171 = vector.load %arg9[%get3A_169, %get3A_170] : memref<1x1152xf32, #tpu.memory_space<vmem>>, vector<1x1152xf32>
    %mul3A_172 = vector.broadcast %get3A_171 : vector<1x1152xf32> to vector<256x1152xf32>
    %mul3A_173 = arith.mulf %mul3A_168, %mul3A_172 : vector<256x1152xf32>
    %get3A_174 = arith.constant 0 : index
    %get3A_175 = arith.constant 0 : index
    %get3A_176 = vector.load %arg10[%get3A_174, %get3A_175] : memref<1x1152xf32, #tpu.memory_space<vmem>>, vector<1x1152xf32>
    %add3A_177 = vector.broadcast %get3A_176 : vector<1x1152xf32> to vector<256x1152xf32>
    %add3A_178 = arith.addf %mul3A_173, %add3A_177 : vector<256x1152xf32>
    %swap3A_179 = arith.constant 256 : index
    %swap3A_180 = arith.constant 0 : index
    %swap3A_181 = vector.load %arg11[%swap3A_179, %swap3A_180] : memref<512x1152xf32, #tpu.memory_space<vmem>>, vector<256x1152xf32>
    tpu.vector_store %arg11[%swap3A_179, %swap3A_180], %add3A_178 {strides = array<i32>} : memref<512x1152xf32, #tpu.memory_space<vmem>>, vector<256x1152xf32>,
    return
  }
  func.func @transform_1(%arg0: i32) -> (i32, i32) {
    %c0_i32 = arith.constant 0 : i32
    %c0_i32_0 = arith.constant 0 : i32
    return %arg0, %c0_i32 : i32, i32
  }
  func.func @transform_2(%arg0: i32) -> (i32, i32) {
    %c0_i32 = arith.constant 0 : i32
    %c0_i32_0 = arith.constant 0 : i32
    %c0_i32_1 = arith.constant 0 : i32
    return %c0_i32, %c0_i32_0 : i32, i32
  }
  func.func @transform_3(%arg0: i32) -> (i32, i32) {
    %c0_i32 = arith.constant 0 : i32
    %c0_i32_0 = arith.constant 0 : i32
    %c0_i32_1 = arith.constant 0 : i32
    return %c0_i32, %c0_i32_0 : i32, i32
  }
  func.func @transform_4(%arg0: i32) -> (i32, i32) {
    %c0_i32 = arith.constant 0 : i32
    %c0_i32_0 = arith.constant 0 : i32
    %c0_i32_1 = arith.constant 0 : i32
    return %c0_i32, %c0_i32_0 : i32, i32
  }
  func.func @transform_5(%arg0: i32) -> (i32, i32) {
    %c0_i32 = arith.constant 0 : i32
    %c0_i32_0 = arith.constant 0 : i32
    %c0_i32_1 = arith.constant 0 : i32
    return %c0_i32, %c0_i32_0 : i32, i32
  }
  func.func @transform_6(%arg0: i32) -> (i32, i32) {
    %c0_i32 = arith.constant 0 : i32
    %c0_i32_0 = arith.constant 0 : i32
    %c0_i32_1 = arith.constant 0 : i32
    return %c0_i32, %c0_i32_0 : i32, i32
  }
  func.func @transform_7(%arg0: i32) -> (i32, i32) {
    %c0_i32 = arith.constant 0 : i32
    %c0_i32_0 = arith.constant 0 : i32
    %c0_i32_1 = arith.constant 0 : i32
    return %c0_i32, %c0_i32_0 : i32, i32
  }
  func.func @transform_8(%arg0: i32) -> (i32, i32) {
    %c0_i32 = arith.constant 0 : i32
    %c0_i32_0 = arith.constant 0 : i32
    %c0_i32_1 = arith.constant 0 : i32
    return %c0_i32, %c0_i32_0 : i32, i32
  }
  func.func @transform_9(%arg0: i32) -> (i32, i32) {
    %c0_i32 = arith.constant 0 : i32
    %c0_i32_0 = arith.constant 0 : i32
    %c0_i32_1 = arith.constant 0 : i32
    return %c0_i32, %c0_i32_0 : i32, i32
  }
  func.func @transform_10(%arg0: i32) -> (i32, i32) {
    %add3A = arith.constant 3 : i32
    %add3A_0 = arith.addi %arg0, %add3A : i32
    %c0_i32 = arith.constant 0 : i32
    %c0_i32_1 = arith.constant 0 : i32
    return %add3A_0, %c0_i32 : i32, i32
  }
}

module attributes {stable_mosaic.version = 14 : i64} {
  func.func @_mlp_math(%arg0: i32, %arg1: memref<512x1152xf32, #tpu.memory_space<vmem>>, %arg2: memref<1152x512xbf16, #tpu.memory_space<vmem>>, %arg3: memref<1x512xf32, #tpu.memory_space<vmem>>, %arg4: memref<1x512xf32, #tpu.memory_space<vmem>>, %arg5: memref<1x512xf32, #tpu.memory_space<vmem>>, %arg6: memref<512x1152xbf16, #tpu.memory_space<vmem>>, %arg7: memref<1x1152xf32, #tpu.memory_space<vmem>>, %arg8: memref<1x1152xf32, #tpu.memory_space<vmem>>, %arg9: memref<1x1152xf32, #tpu.memory_space<vmem>>, %arg10: memref<512x1152xf32, #tpu.memory_space<vmem>>) attributes {dimension_semantics = [#tpu.dimension_semantics<arbitrary>], iteration_bounds = array<i64: 3>, scalar_prefetch = 0 : i64, scratch_operands = 0 : i64, tpu.core_type = #tpu.core_type<tc>, window_params = [{transform_indices = @transform_0, window_bounds = array<i64: 512, 1152>}, {pipeline_mode = #tpu.pipeline_mode<synchronous>, transform_indices = @transform_1, window_bounds = array<i64: 1152, 512>}, {pipeline_mode = #tpu.pipeline_mode<synchronous>, transform_indices = @transform_2, window_bounds = array<i64: 1, 512>}, {pipeline_mode = #tpu.pipeline_mode<synchronous>, transform_indices = @transform_3, window_bounds = array<i64: 1, 512>}, {pipeline_mode = #tpu.pipeline_mode<synchronous>, transform_indices = @transform_4, window_bounds = array<i64: 1, 512>}, {pipeline_mode = #tpu.pipeline_mode<synchronous>, transform_indices = @transform_5, window_bounds = array<i64: 512, 1152>}, {pipeline_mode = #tpu.pipeline_mode<synchronous>, transform_indices = @transform_6, window_bounds = array<i64: 1, 1152>}, {pipeline_mode = #tpu.pipeline_mode<synchronous>, transform_indices = @transform_7, window_bounds = array<i64: 1, 1152>}, {pipeline_mode = #tpu.pipeline_mode<synchronous>, transform_indices = @transform_8, window_bounds = array<i64: 1, 1152>}, {transform_indices = @transform_9, window_bounds = array<i64: 512, 1152>}]} {
    %get3A = arith.constant 0 : index
    %get3A_0 = arith.constant 0 : index
    %get3A_1 = vector.load %arg1[%get3A, %get3A_0] : memref<512x1152xf32, #tpu.memory_space<vmem>>, vector<256x1152xf32>
    %convert_element_type3A = arith.truncf %get3A_1 : vector<256x1152xf32> to vector<256x1152xbf16>
    %get3A_2 = arith.constant 0 : index
    %get3A_3 = arith.constant 0 : index
    %get3A_4 = vector.load %arg2[%get3A_2, %get3A_3] : memref<1152x512xbf16, #tpu.memory_space<vmem>>, vector<1152x512xbf16>
    %dot_general3A = arith.constant dense<0.000000e+00> : vector<256x512xf32>
    %dot_general3A_5 = tpu.matmul %convert_element_type3A, %get3A_4, %dot_general3A {dimension_numbers = #tpu.dot_dimension_numbers<[1], [0], [0], [1], [0, 0, 1, 1], [], []>, transpose_lhs_hint = false} : vector<256x1152xbf16>, vector<1152x512xbf16>, vector<256x512xf32> -> vector<256x512xf32>
    %get3A_6 = arith.constant 0 : index
    %get3A_7 = arith.constant 0 : index
    %get3A_8 = vector.load %arg3[%get3A_6, %get3A_7] : memref<1x512xf32, #tpu.memory_space<vmem>>, vector<1x512xf32>
    %add3A = vector.broadcast %get3A_8 : vector<1x512xf32> to vector<256x512xf32>
    %add3A_9 = arith.addf %dot_general3A_5, %add3A : vector<256x512xf32>
    %reduce_sum3A = arith.constant dense<0.000000e+00> : vector<256xf32>
    %reduce_sum3A_10 = vector.multi_reduction <add>, %add3A_9, %reduce_sum3A [1] : vector<256x512xf32> to vector<256xf32>
    %broadcast_in_dim3A = vector.shape_cast %reduce_sum3A_10 : vector<256xf32> to vector<256x1xf32>
    %div3A = arith.constant 5.120000e+02 : f32
    %div3A_11 = vector.broadcast %div3A : f32 to vector<256x1xf32>
    %div3A_12 = arith.divf %broadcast_in_dim3A, %div3A_11 : vector<256x1xf32>
    %mul3A = arith.mulf %add3A_9, %add3A_9 : vector<256x512xf32>
    %reduce_sum3A_13 = arith.constant dense<0.000000e+00> : vector<256xf32>
    %reduce_sum3A_14 = vector.multi_reduction <add>, %mul3A, %reduce_sum3A_13 [1] : vector<256x512xf32> to vector<256xf32>
    %broadcast_in_dim3A_15 = vector.shape_cast %reduce_sum3A_14 : vector<256xf32> to vector<256x1xf32>
    %div3A_16 = arith.constant 5.120000e+02 : f32
    %div3A_17 = vector.broadcast %div3A_16 : f32 to vector<256x1xf32>
    %div3A_18 = arith.divf %broadcast_in_dim3A_15, %div3A_17 : vector<256x1xf32>
    %mul3A_19 = arith.mulf %div3A_12, %div3A_12 : vector<256x1xf32>
    %sub3A = arith.subf %div3A_18, %mul3A_19 : vector<256x1xf32>
    %add3A_20 = arith.constant 9.99999974E-6 : f32
    %add3A_21 = vector.broadcast %add3A_20 : f32 to vector<256x1xf32>
    %add3A_22 = arith.addf %sub3A, %add3A_21 : vector<256x1xf32>
    %rsqrt3A = math.rsqrt %add3A_22 : vector<256x1xf32>
    %sub3A_23 = vector.broadcast %div3A_12 : vector<256x1xf32> to vector<256x512xf32>
    %sub3A_24 = arith.subf %add3A_9, %sub3A_23 : vector<256x512xf32>
    %mul3A_25 = vector.broadcast %rsqrt3A : vector<256x1xf32> to vector<256x512xf32>
    %mul3A_26 = arith.mulf %sub3A_24, %mul3A_25 : vector<256x512xf32>
    %get3A_27 = arith.constant 0 : index
    %get3A_28 = arith.constant 0 : index
    %get3A_29 = vector.load %arg4[%get3A_27, %get3A_28] : memref<1x512xf32, #tpu.memory_space<vmem>>, vector<1x512xf32>
    %mul3A_30 = vector.broadcast %get3A_29 : vector<1x512xf32> to vector<256x512xf32>
    %mul3A_31 = arith.mulf %mul3A_26, %mul3A_30 : vector<256x512xf32>
    %get3A_32 = arith.constant 0 : index
    %get3A_33 = arith.constant 0 : index
    %get3A_34 = vector.load %arg5[%get3A_32, %get3A_33] : memref<1x512xf32, #tpu.memory_space<vmem>>, vector<1x512xf32>
    %add3A_35 = vector.broadcast %get3A_34 : vector<1x512xf32> to vector<256x512xf32>
    %add3A_36 = arith.addf %mul3A_31, %add3A_35 : vector<256x512xf32>
    %max3A = arith.constant 0.000000e+00 : f32
    %max3A_37 = vector.broadcast %max3A : f32 to vector<256x512xf32>
    %max3A_38 = arith.maximumf %add3A_36, %max3A_37 : vector<256x512xf32>
    %convert_element_type3A_39 = arith.truncf %max3A_38 : vector<256x512xf32> to vector<256x512xbf16>
    %get3A_40 = arith.constant 0 : index
    %get3A_41 = arith.constant 0 : index
    %get3A_42 = vector.load %arg6[%get3A_40, %get3A_41] : memref<512x1152xbf16, #tpu.memory_space<vmem>>, vector<512x1152xbf16>
    %dot_general3A_43 = arith.constant dense<0.000000e+00> : vector<256x1152xf32>
    %dot_general3A_44 = tpu.matmul %convert_element_type3A_39, %get3A_42, %dot_general3A_43 {dimension_numbers = #tpu.dot_dimension_numbers<[1], [0], [0], [1], [0, 0, 1, 1], [], []>, transpose_lhs_hint = false} : vector<256x512xbf16>, vector<512x1152xbf16>, vector<256x1152xf32> -> vector<256x1152xf32>
    %get3A_45 = arith.constant 0 : index
    %get3A_46 = arith.constant 0 : index
    %get3A_47 = vector.load %arg7[%get3A_45, %get3A_46] : memref<1x1152xf32, #tpu.memory_space<vmem>>, vector<1x1152xf32>
    %add3A_48 = vector.broadcast %get3A_47 : vector<1x1152xf32> to vector<256x1152xf32>
    %add3A_49 = arith.addf %dot_general3A_44, %add3A_48 : vector<256x1152xf32>
    %reduce_sum3A_50 = arith.constant dense<0.000000e+00> : vector<256xf32>
    %reduce_sum3A_51 = vector.multi_reduction <add>, %add3A_49, %reduce_sum3A_50 [1] : vector<256x1152xf32> to vector<256xf32>
    %broadcast_in_dim3A_52 = vector.shape_cast %reduce_sum3A_51 : vector<256xf32> to vector<256x1xf32>
    %div3A_53 = arith.constant 1.152000e+03 : f32
    %div3A_54 = vector.broadcast %div3A_53 : f32 to vector<256x1xf32>
    %div3A_55 = arith.divf %broadcast_in_dim3A_52, %div3A_54 : vector<256x1xf32>
    %mul3A_56 = arith.mulf %add3A_49, %add3A_49 : vector<256x1152xf32>
    %reduce_sum3A_57 = arith.constant dense<0.000000e+00> : vector<256xf32>
    %reduce_sum3A_58 = vector.multi_reduction <add>, %mul3A_56, %reduce_sum3A_57 [1] : vector<256x1152xf32> to vector<256xf32>
    %broadcast_in_dim3A_59 = vector.shape_cast %reduce_sum3A_58 : vector<256xf32> to vector<256x1xf32>
    %div3A_60 = arith.constant 1.152000e+03 : f32
    %div3A_61 = vector.broadcast %div3A_60 : f32 to vector<256x1xf32>
    %div3A_62 = arith.divf %broadcast_in_dim3A_59, %div3A_61 : vector<256x1xf32>
    %mul3A_63 = arith.mulf %div3A_55, %div3A_55 : vector<256x1xf32>
    %sub3A_64 = arith.subf %div3A_62, %mul3A_63 : vector<256x1xf32>
    %add3A_65 = arith.constant 9.99999974E-6 : f32
    %add3A_66 = vector.broadcast %add3A_65 : f32 to vector<256x1xf32>
    %add3A_67 = arith.addf %sub3A_64, %add3A_66 : vector<256x1xf32>
    %rsqrt3A_68 = math.rsqrt %add3A_67 : vector<256x1xf32>
    %sub3A_69 = vector.broadcast %div3A_55 : vector<256x1xf32> to vector<256x1152xf32>
    %sub3A_70 = arith.subf %add3A_49, %sub3A_69 : vector<256x1152xf32>
    %mul3A_71 = vector.broadcast %rsqrt3A_68 : vector<256x1xf32> to vector<256x1152xf32>
    %mul3A_72 = arith.mulf %sub3A_70, %mul3A_71 : vector<256x1152xf32>
    %get3A_73 = arith.constant 0 : index
    %get3A_74 = arith.constant 0 : index
    %get3A_75 = vector.load %arg8[%get3A_73, %get3A_74] : memref<1x1152xf32, #tpu.memory_space<vmem>>, vector<1x1152xf32>
    %mul3A_76 = vector.broadcast %get3A_75 : vector<1x1152xf32> to vector<256x1152xf32>
    %mul3A_77 = arith.mulf %mul3A_72, %mul3A_76 : vector<256x1152xf32>
    %get3A_78 = arith.constant 0 : index
    %get3A_79 = arith.constant 0 : index
    %get3A_80 = vector.load %arg9[%get3A_78, %get3A_79] : memref<1x1152xf32, #tpu.memory_space<vmem>>, vector<1x1152xf32>
    %add3A_81 = vector.broadcast %get3A_80 : vector<1x1152xf32> to vector<256x1152xf32>
    %add3A_82 = arith.addf %mul3A_77, %add3A_81 : vector<256x1152xf32>
    %swap3A = arith.constant 0 : index
    %swap3A_83 = arith.constant 0 : index
    %swap3A_84 = vector.load %arg10[%swap3A, %swap3A_83] : memref<512x1152xf32, #tpu.memory_space<vmem>>, vector<256x1152xf32>
    tpu.vector_store %arg10[%swap3A, %swap3A_83], %add3A_82 {strides = array<i32>} : memref<512x1152xf32, #tpu.memory_space<vmem>>, vector<256x1152xf32>,
    %get3A_85 = arith.constant 256 : index
    %get3A_86 = arith.constant 0 : index
    %get3A_87 = vector.load %arg1[%get3A_85, %get3A_86] : memref<512x1152xf32, #tpu.memory_space<vmem>>, vector<256x1152xf32>
    %convert_element_type3A_88 = arith.truncf %get3A_87 : vector<256x1152xf32> to vector<256x1152xbf16>
    %get3A_89 = arith.constant 0 : index
    %get3A_90 = arith.constant 0 : index
    %get3A_91 = vector.load %arg2[%get3A_89, %get3A_90] : memref<1152x512xbf16, #tpu.memory_space<vmem>>, vector<1152x512xbf16>
    %dot_general3A_92 = arith.constant dense<0.000000e+00> : vector<256x512xf32>
    %dot_general3A_93 = tpu.matmul %convert_element_type3A_88, %get3A_91, %dot_general3A_92 {dimension_numbers = #tpu.dot_dimension_numbers<[1], [0], [0], [1], [0, 0, 1, 1], [], []>, transpose_lhs_hint = false} : vector<256x1152xbf16>, vector<1152x512xbf16>, vector<256x512xf32> -> vector<256x512xf32>
    %get3A_94 = arith.constant 0 : index
    %get3A_95 = arith.constant 0 : index
    %get3A_96 = vector.load %arg3[%get3A_94, %get3A_95] : memref<1x512xf32, #tpu.memory_space<vmem>>, vector<1x512xf32>
    %add3A_97 = vector.broadcast %get3A_96 : vector<1x512xf32> to vector<256x512xf32>
    %add3A_98 = arith.addf %dot_general3A_93, %add3A_97 : vector<256x512xf32>
    %reduce_sum3A_99 = arith.constant dense<0.000000e+00> : vector<256xf32>
    %reduce_sum3A_100 = vector.multi_reduction <add>, %add3A_98, %reduce_sum3A_99 [1] : vector<256x512xf32> to vector<256xf32>
    %broadcast_in_dim3A_101 = vector.shape_cast %reduce_sum3A_100 : vector<256xf32> to vector<256x1xf32>
    %div3A_102 = arith.constant 5.120000e+02 : f32
    %div3A_103 = vector.broadcast %div3A_102 : f32 to vector<256x1xf32>
    %div3A_104 = arith.divf %broadcast_in_dim3A_101, %div3A_103 : vector<256x1xf32>
    %mul3A_105 = arith.mulf %add3A_98, %add3A_98 : vector<256x512xf32>
    %reduce_sum3A_106 = arith.constant dense<0.000000e+00> : vector<256xf32>
    %reduce_sum3A_107 = vector.multi_reduction <add>, %mul3A_105, %reduce_sum3A_106 [1] : vector<256x512xf32> to vector<256xf32>
    %broadcast_in_dim3A_108 = vector.shape_cast %reduce_sum3A_107 : vector<256xf32> to vector<256x1xf32>
    %div3A_109 = arith.constant 5.120000e+02 : f32
    %div3A_110 = vector.broadcast %div3A_109 : f32 to vector<256x1xf32>
    %div3A_111 = arith.divf %broadcast_in_dim3A_108, %div3A_110 : vector<256x1xf32>
    %mul3A_112 = arith.mulf %div3A_104, %div3A_104 : vector<256x1xf32>
    %sub3A_113 = arith.subf %div3A_111, %mul3A_112 : vector<256x1xf32>
    %add3A_114 = arith.constant 9.99999974E-6 : f32
    %add3A_115 = vector.broadcast %add3A_114 : f32 to vector<256x1xf32>
    %add3A_116 = arith.addf %sub3A_113, %add3A_115 : vector<256x1xf32>
    %rsqrt3A_117 = math.rsqrt %add3A_116 : vector<256x1xf32>
    %sub3A_118 = vector.broadcast %div3A_104 : vector<256x1xf32> to vector<256x512xf32>
    %sub3A_119 = arith.subf %add3A_98, %sub3A_118 : vector<256x512xf32>
    %mul3A_120 = vector.broadcast %rsqrt3A_117 : vector<256x1xf32> to vector<256x512xf32>
    %mul3A_121 = arith.mulf %sub3A_119, %mul3A_120 : vector<256x512xf32>
    %get3A_122 = arith.constant 0 : index
    %get3A_123 = arith.constant 0 : index
    %get3A_124 = vector.load %arg4[%get3A_122, %get3A_123] : memref<1x512xf32, #tpu.memory_space<vmem>>, vector<1x512xf32>
    %mul3A_125 = vector.broadcast %get3A_124 : vector<1x512xf32> to vector<256x512xf32>
    %mul3A_126 = arith.mulf %mul3A_121, %mul3A_125 : vector<256x512xf32>
    %get3A_127 = arith.constant 0 : index
    %get3A_128 = arith.constant 0 : index
    %get3A_129 = vector.load %arg5[%get3A_127, %get3A_128] : memref<1x512xf32, #tpu.memory_space<vmem>>, vector<1x512xf32>
    %add3A_130 = vector.broadcast %get3A_129 : vector<1x512xf32> to vector<256x512xf32>
    %add3A_131 = arith.addf %mul3A_126, %add3A_130 : vector<256x512xf32>
    %max3A_132 = arith.constant 0.000000e+00 : f32
    %max3A_133 = vector.broadcast %max3A_132 : f32 to vector<256x512xf32>
    %max3A_134 = arith.maximumf %add3A_131, %max3A_133 : vector<256x512xf32>
    %convert_element_type3A_135 = arith.truncf %max3A_134 : vector<256x512xf32> to vector<256x512xbf16>
    %get3A_136 = arith.constant 0 : index
    %get3A_137 = arith.constant 0 : index
    %get3A_138 = vector.load %arg6[%get3A_136, %get3A_137] : memref<512x1152xbf16, #tpu.memory_space<vmem>>, vector<512x1152xbf16>
    %dot_general3A_139 = arith.constant dense<0.000000e+00> : vector<256x1152xf32>
    %dot_general3A_140 = tpu.matmul %convert_element_type3A_135, %get3A_138, %dot_general3A_139 {dimension_numbers = #tpu.dot_dimension_numbers<[1], [0], [0], [1], [0, 0, 1, 1], [], []>, transpose_lhs_hint = false} : vector<256x512xbf16>, vector<512x1152xbf16>, vector<256x1152xf32> -> vector<256x1152xf32>
    %get3A_141 = arith.constant 0 : index
    %get3A_142 = arith.constant 0 : index
    %get3A_143 = vector.load %arg7[%get3A_141, %get3A_142] : memref<1x1152xf32, #tpu.memory_space<vmem>>, vector<1x1152xf32>
    %add3A_144 = vector.broadcast %get3A_143 : vector<1x1152xf32> to vector<256x1152xf32>
    %add3A_145 = arith.addf %dot_general3A_140, %add3A_144 : vector<256x1152xf32>
    %reduce_sum3A_146 = arith.constant dense<0.000000e+00> : vector<256xf32>
    %reduce_sum3A_147 = vector.multi_reduction <add>, %add3A_145, %reduce_sum3A_146 [1] : vector<256x1152xf32> to vector<256xf32>
    %broadcast_in_dim3A_148 = vector.shape_cast %reduce_sum3A_147 : vector<256xf32> to vector<256x1xf32>
    %div3A_149 = arith.constant 1.152000e+03 : f32
    %div3A_150 = vector.broadcast %div3A_149 : f32 to vector<256x1xf32>
    %div3A_151 = arith.divf %broadcast_in_dim3A_148, %div3A_150 : vector<256x1xf32>
    %mul3A_152 = arith.mulf %add3A_145, %add3A_145 : vector<256x1152xf32>
    %reduce_sum3A_153 = arith.constant dense<0.000000e+00> : vector<256xf32>
    %reduce_sum3A_154 = vector.multi_reduction <add>, %mul3A_152, %reduce_sum3A_153 [1] : vector<256x1152xf32> to vector<256xf32>
    %broadcast_in_dim3A_155 = vector.shape_cast %reduce_sum3A_154 : vector<256xf32> to vector<256x1xf32>
    %div3A_156 = arith.constant 1.152000e+03 : f32
    %div3A_157 = vector.broadcast %div3A_156 : f32 to vector<256x1xf32>
    %div3A_158 = arith.divf %broadcast_in_dim3A_155, %div3A_157 : vector<256x1xf32>
    %mul3A_159 = arith.mulf %div3A_151, %div3A_151 : vector<256x1xf32>
    %sub3A_160 = arith.subf %div3A_158, %mul3A_159 : vector<256x1xf32>
    %add3A_161 = arith.constant 9.99999974E-6 : f32
    %add3A_162 = vector.broadcast %add3A_161 : f32 to vector<256x1xf32>
    %add3A_163 = arith.addf %sub3A_160, %add3A_162 : vector<256x1xf32>
    %rsqrt3A_164 = math.rsqrt %add3A_163 : vector<256x1xf32>
    %sub3A_165 = vector.broadcast %div3A_151 : vector<256x1xf32> to vector<256x1152xf32>
    %sub3A_166 = arith.subf %add3A_145, %sub3A_165 : vector<256x1152xf32>
    %mul3A_167 = vector.broadcast %rsqrt3A_164 : vector<256x1xf32> to vector<256x1152xf32>
    %mul3A_168 = arith.mulf %sub3A_166, %mul3A_167 : vector<256x1152xf32>
    %get3A_169 = arith.constant 0 : index
    %get3A_170 = arith.constant 0 : index
    %get3A_171 = vector.load %arg8[%get3A_169, %get3A_170] : memref<1x1152xf32, #tpu.memory_space<vmem>>, vector<1x1152xf32>
    %mul3A_172 = vector.broadcast %get3A_171 : vector<1x1152xf32> to vector<256x1152xf32>
    %mul3A_173 = arith.mulf %mul3A_168, %mul3A_172 : vector<256x1152xf32>
    %get3A_174 = arith.constant 0 : index
    %get3A_175 = arith.constant 0 : index
    %get3A_176 = vector.load %arg9[%get3A_174, %get3A_175] : memref<1x1152xf32, #tpu.memory_space<vmem>>, vector<1x1152xf32>
    %add3A_177 = vector.broadcast %get3A_176 : vector<1x1152xf32> to vector<256x1152xf32>
    %add3A_178 = arith.addf %mul3A_173, %add3A_177 : vector<256x1152xf32>
    %swap3A_179 = arith.constant 256 : index
    %swap3A_180 = arith.constant 0 : index
    %swap3A_181 = vector.load %arg10[%swap3A_179, %swap3A_180] : memref<512x1152xf32, #tpu.memory_space<vmem>>, vector<256x1152xf32>
    tpu.vector_store %arg10[%swap3A_179, %swap3A_180], %add3A_178 {strides = array<i32>} : memref<512x1152xf32, #tpu.memory_space<vmem>>, vector<256x1152xf32>,
    return
  }
  func.func @transform_0(%arg0: i32) -> (i32, i32) {
    %c0_i32 = arith.constant 0 : i32
    %c0_i32_0 = arith.constant 0 : i32
    return %arg0, %c0_i32 : i32, i32
  }
  func.func @transform_1(%arg0: i32) -> (i32, i32) {
    %c0_i32 = arith.constant 0 : i32
    %c0_i32_0 = arith.constant 0 : i32
    %c0_i32_1 = arith.constant 0 : i32
    return %c0_i32, %c0_i32_0 : i32, i32
  }
  func.func @transform_2(%arg0: i32) -> (i32, i32) {
    %c0_i32 = arith.constant 0 : i32
    %c0_i32_0 = arith.constant 0 : i32
    %c0_i32_1 = arith.constant 0 : i32
    return %c0_i32, %c0_i32_0 : i32, i32
  }
  func.func @transform_3(%arg0: i32) -> (i32, i32) {
    %c0_i32 = arith.constant 0 : i32
    %c0_i32_0 = arith.constant 0 : i32
    %c0_i32_1 = arith.constant 0 : i32
    return %c0_i32, %c0_i32_0 : i32, i32
  }
  func.func @transform_4(%arg0: i32) -> (i32, i32) {
    %c0_i32 = arith.constant 0 : i32
    %c0_i32_0 = arith.constant 0 : i32
    %c0_i32_1 = arith.constant 0 : i32
    return %c0_i32, %c0_i32_0 : i32, i32
  }
  func.func @transform_5(%arg0: i32) -> (i32, i32) {
    %c0_i32 = arith.constant 0 : i32
    %c0_i32_0 = arith.constant 0 : i32
    %c0_i32_1 = arith.constant 0 : i32
    return %c0_i32, %c0_i32_0 : i32, i32
  }
  func.func @transform_6(%arg0: i32) -> (i32, i32) {
    %c0_i32 = arith.constant 0 : i32
    %c0_i32_0 = arith.constant 0 : i32
    %c0_i32_1 = arith.constant 0 : i32
    return %c0_i32, %c0_i32_0 : i32, i32
  }
  func.func @transform_7(%arg0: i32) -> (i32, i32) {
    %c0_i32 = arith.constant 0 : i32
    %c0_i32_0 = arith.constant 0 : i32
    %c0_i32_1 = arith.constant 0 : i32
    return %c0_i32, %c0_i32_0 : i32, i32
  }
  func.func @transform_8(%arg0: i32) -> (i32, i32) {
    %c0_i32 = arith.constant 0 : i32
    %c0_i32_0 = arith.constant 0 : i32
    %c0_i32_1 = arith.constant 0 : i32
    return %c0_i32, %c0_i32_0 : i32, i32
  }
  func.func @transform_9(%arg0: i32) -> (i32, i32) {
    %c0_i32 = arith.constant 0 : i32
    %c0_i32_0 = arith.constant 0 : i32
    return %arg0, %c0_i32 : i32, i32
  }
}

</mosaic_0001>

<sc_bundles>
// kernel: kernel.6.cloned.1.call-start
scs
__scs_entry_jumppad:
0x0: {  	(pc) =	sbr.rel $0x88, $3  }
0x1: {  	(tag) =	ssettag $0x0;
	lr =	simm.s32 $0x1  }
0x2: {  	[smem:$0x3F97] =	sst lr;
	_ =	strace $0xD0000000  }
0x3: {  	_ = 	snop  }
0x4: {  	_ = 	snop  }
0x5: {  	_ = 	snop  }
0x6: {  	_ = 	snop  }
0x7: {  	_ = 	snop  }
__scs_overlays_trampoline_lowered:
0x8: {  	[smem:$0x3FA6] =	sst s0  }
0x9: {  	[smem:$0x3FA7] =	sst s1  }
0xa: {  	[smem:$0x3FA8] =	sst s2  }
0xb: {  	[smem:$0x3FA9] =	sst s3  }
0xc: {  	[smem:$0x3FAA] =	sst s4  }
0xd: {  	[smem:$0x3FAB] =	sst s5  }
0xe: {  	[smem:$0x3FAC] =	sst s6  }
0xf: {  	[smem:$0x3FAD] =	sst s7  }
0x10: {  	[smem:$0x3FAE] =	sst s8  }
0x11: {  	[smem:$0x3FAF] =	sst s9;
	s0 =	simm.s32 @!p0 $0x0  }
0x12: {  	s1 =	sld [smem:$0x3F95];
	s0 =	simm.s32 @p0 $0x1  }
0x13: {  	[smem:$0x3FB0] =	sst s0;
	s0 =	simm.s32 @!p1 $0x0  }
0x14: {  	s2 =	sld [smem:$0x3F94];
	s0 =	simm.s32 @p1 $0x1  }
0x15: {  	[smem:$0x3FB1] =	sst s0;
	s0 =	simm.s32 @!p2 $0x0  }
0x16: {  	s3 =	sld [smem:$0x3FDB];
	s0 =	simm.s32 @p2 $0x1  }
0x17: {  	s4 =	simm.s32 $0x1BF5;
	[smem:$0x3FB3] =	sst s0  }
0x18: {  	s0 =	sld [smem:$0x3F96];
	_ =	swait.ge [sflag:s4], $0x0  }
0x19: {  	s7 =	sld [smem:$0x3F97]  }
0x1a: {  	s8 =	sadd.s32 $0xFFFFE003, lr  }
0x1b: {  	s9 =	sadd.s32 $0xFFFFFEF7, lr;
	s5 =	simm.s32 $0xFFFFFFFF;
	p2 =	slt.u32 s8, $0xFFFFF086  }
0x1c: {  	p1 =	slt.u32 s9, $0xF7A;
	s5 =	simm.s32 @!p2 $0x0  }
0x1d: {  	s5 =	simm.s32 @p1 $0x1;
	p0 =	seq.s32 s7, s2  }
0x1e: {  	s7 =	smul.u32 @!p0 $0xF7A, s2;
	p2 =	seq.s32 @!p0 s5, $0x0  }
0x1f: {  	s9 =	smul.u32 $0xF7A, s1;
	s8 =	simm.s32 @!p0 $0x1BF5;
	p2 =	por !p2, p0  }
0x20: {  	[sflag:s8] =	ssyncset.s32 @!p0 $0xFFFFF086;
	s6 =	sadd.s32 @!p0 s3, s7;
	s7 =	simm.s32 @!p0 $0x108  }
0x21: {  	s3 =	sadd.s32 s3, s9;
	s6 =	sadd.s32 @!p0 $0x88, s6;
	s7 =	simm.s32 @p2 $0x1082  }
0x22: {  	[simem:s7], [sflag:s8] =	dma.local @!p0 [hbm:s6], $0xF7A  }
0x23: {  	s9 =	sor.u32 $0xD0000000, s2;
	s6 =	simm.s32 $0x108;
	_ =	swait.ge @!p0 [sflag:s8], $0x0  }
0x24: {  	s3 =	sadd.s32 $0x88, s3;
	s6 =	simm.s32 @!p1 $0x1082;
	[sflag:s4] =	ssyncset.s32 $0xFFFFF086  }
0x25: {  	[simem:s6], [sflag:s4] =	dma.local [hbm:s3], $0xF7A  }
0x26: {  	[smem:$0x3F97] =	sst s1;
	(tag) =	ssettag s2;
	_ =	strace s9  }
0x27: {  	s1 =	sld [smem:$0x3FA7]  }
0x28: {  	s2 =	sld [smem:$0x3FA8]  }
0x29: {  	s4 =	sld [smem:$0x3FAA]  }
0x2a: {  	p0 =	seq.s32 s5, $0x0;
	s5 =	sld [smem:$0x3FAB]  }
0x2b: {  	s6 =	sld [smem:$0x3FAC]  }
0x2c: {  	s7 =	sld [smem:$0x3FAD]  }
0x2d: {  	s3 =	simm.s32 $0x108;
	s8 =	sld [smem:$0x3FAE]  }
0x2e: {  	s3 =	simm.s32 @!p0 $0x1082;
	s9 =	sld [smem:$0x3FAF]  }
0x2f: {  	lr =	sadd.s32 s0, s3;
	s0 =	sld [smem:$0x3FA6]  }
0x30: {  	s3 =	sld [smem:$0x3FA9]  }
0x31: {  	[smem:$0x3FB2] =	sst s10  }
0x32: {  	s10 =	sld [smem:$0x3FB0];
	_ =	sdelay $0x3  }
0x33: {  	p0 =	seq.s32 s10, $0x1;
	s10 =	sld [smem:$0x3FB2];
	_ =	sdelay $0x3  }
0x34: {  	[smem:$0x3FB2] =	sst s10  }
0x35: {  	s10 =	sld [smem:$0x3FB1];
	_ =	sdelay $0x3  }
0x36: {  	p1 =	seq.s32 s10, $0x1;
	s10 =	sld [smem:$0x3FB2];
	_ =	sdelay $0x3  }
0x37: {  	[smem:$0x3FB2] =	sst s10  }
0x38: {  	s10 =	sld [smem:$0x3FB3]  }
0x39: {  	_ = 	snop;
	(pc) =	sbr.ind lr, $3  }
0x3a: {  	_ = 	snop  }
0x3b: {  	_ = 	snop  }
0x3c: {  	p2 =	seq.s32 s10, $0x1;
	s10 =	sld [smem:$0x3FB2]  }
0x3d: {  	_ =	shalt  }
0x3e: {  	_ =	shalt  }
0x3f: {  	_ =	shalt  }
0x40: {  	_ =	shalt  }
0x41: {  	_ =	shalt  }
0x42: {  	_ =	shalt  }
0x43: {  	_ =	shalt  }
0x44: {  	_ =	shalt  }
0x45: {  	_ =	shalt  }
0x46: {  	_ =	shalt  }
0x47: {  	_ =	shalt  }
0x48: {  	_ =	shalt  }
0x49: {  	_ =	shalt  }
0x4a: {  	_ =	shalt  }
0x4b: {  	_ =	shalt  }
0x4c: {  	_ =	shalt  }
0x4d: {  	_ =	shalt  }
0x4e: {  	_ =	shalt  }
0x4f: {  	_ =	shalt  }
0x50: {  	_ =	shalt  }
0x51: {  	_ =	shalt  }
0x52: {  	_ =	shalt  }
0x53: {  	_ =	shalt  }
0x54: {  	_ =	shalt  }
0x55: {  	_ =	shalt  }
0x56: {  	_ =	shalt  }
0x57: {  	_ =	shalt  }
0x58: {  	_ =	shalt  }
0x59: {  	_ =	shalt  }
0x5a: {  	_ =	shalt  }
0x5b: {  	_ =	shalt  }
0x5c: {  	_ =	shalt  }
0x5d: {  	_ =	shalt  }
0x5e: {  	_ =	shalt  }
0x5f: {  	_ =	shalt  }
0x60: {  	_ =	shalt  }
0x61: {  	_ =	shalt  }
0x62: {  	_ =	shalt  }
0x63: {  	_ =	shalt  }
0x64: {  	_ =	shalt  }
0x65: {  	_ =	shalt  }
0x66: {  	_ =	shalt  }
0x67: {  	_ =	shalt  }
0x68: {  	_ =	shalt  }
0x69: {  	_ =	shalt  }
0x6a: {  	_ =	shalt  }
0x6b: {  	_ =	shalt  }
0x6c: {  	_ =	shalt  }
0x6d: {  	_ =	shalt  }
0x6e: {  	_ =	shalt  }
0x6f: {  	_ =	shalt  }
0x70: {  	_ =	shalt  }
0x71: {  	_ =	shalt  }
0x72: {  	_ =	shalt  }
0x73: {  	_ =	shalt  }
0x74: {  	_ =	shalt  }
0x75: {  	_ =	shalt  }
0x76: {  	_ =	shalt  }
0x77: {  	_ =	shalt  }
0x78: {  	_ =	shalt  }
0x79: {  	_ =	shalt  }
0x7a: {  	_ =	shalt  }
0x7b: {  	_ =	shalt  }
0x7c: {  	_ =	shalt  }
0x7d: {  	_ =	shalt  }
0x7e: {  	_ =	shalt  }
0x7f: {  	_ =	shalt  }
0x80: {  	_ =	shalt  }
0x81: {  	_ =	shalt  }
0x82: {  	_ =	shalt  }
0x83: {  	_ =	shalt  }
0x84: {  	_ =	shalt  }
0x85: {  	_ =	shalt  }
0x86: {  	_ =	shalt  }
0x87: {  	_ =	shalt  }
.Lfunc_end0:
.L_simem_size_0:
called_computation_lowered:
.L_overlay_start_0:
0x88: {  	s2 =	sld [smem:$0x3FD9]  }
0x89: {  	s3 =	sld [smem:$0x3FFE];
	_ =	sdelay $0x1  }
0x8a: {  	s1 =	srdreg.scid  }
0x8b: {  	s0 =	sand.u32 $0x1, s1  }
0x8c: {  	s18 =	sshll.u32 s0, $0xA;
	s2 =	sadd.s32 s3, s2  }
0x8d: {  	s2 =	sadd.s32 s2, s18  }
0x8e: {  	[smem:$0x3FBE] =	sst s2  }
0x8f: {  	_ = 	snop  }
0x90: {  	s2 =	sld [smem:$0x3FC9]  }
0x91: {  	s19 =	sld [smem:$0x3FC8]  }
0x92: {  	s4 =	sld [smem:$0x3FD0];
	(tm) =	ssettm $0x1  }
0x93: {  	s5 =	sld [smem:$0x3FFB];
	_ =	sdelay $0x3  }
0x94: {  	_ =	strace s5  }
0x95: {  	s5 =	sld [smem:$0x3FFC];
	_ =	sdelay $0x3  }
0x96: {  	_ =	strace s5  }
0x97: {  	s5 =	sld [smem:$0x3FFD];
	_ =	sdelay $0x3  }
0x98: {  	_ =	strace s5  }
0x99: {  	_ =	strace $0x8FFFFFFF  }
0x9a: {  	s20 =	sld [smem:$0x3FDB];
	_ =	sdelay $0x1  }
0x9b: {  	s6 =	simm.s32 $_scs_section_size  }
0x9c: {  	s7 =	simm.s32 $_size__tile_overlayer_lowered;
	s8 =	simm.s32 $_tile_overlayer_lowered  }
0x9d: {  	s23 =	simm.s32 $0x1BFF;
	s22 =	sshll.u32 s8, $0x1;
	s5 =	sadd.s32 s6, s20  }
0x9e: {  	s9 =	simm.s32 $0x0;
	s21 =	sshll.u32 s7, $0x1;
	s7 =	sadd.s32 s22, s5  }
0x9f: {  	[timem:s9], [sflag:s23] =	dma.local [hbm:s7], s21  }
0xa0: {  	_ =	swait.ge [sflag:s23], s21  }
0xa1: {  	s6 =	ssub.s32 $0x0, s21;
	[sflag:s23] =	ssyncset.done $0x0  }
0xa2: {  	[sflag:s23] =	ssyncadd.s32 s6;
	_ =	sdelay $0x1  }
0xa3: {  	s24 =	simm.s32 $0x1B8B  }
0xa4: {  	_ =	swait.ge [sflag:s24], $0x1  }
0xa5: {  	[sflag:s24] =	ssyncset.done $0x0  }
0xa6: {  	s25 =	simm.s32 $0x1B8E;
	[sflag:s24] =	ssyncadd.s32 $0xFFFFFFFF  }
0xa7: {  	s26 =	simm.s32 $execute0_lowered;
	[smem:$0x3FD2] =	sst s25  }
0xa8: {  	s6 =	sshll.u32 s26, $0x1;
	_ =	strace $0x80000046;
	[dreg:$0x1] =	wrdreg $0xFFFFFFFF  }
0xa9: {  	s28 =	simm.s32 $_size_execute0_lowered;
	s5 =	sadd.s32 s5, s6;
	[dreg:$0x0] =	wrdreg $0x0  }
0xaa: {  	s6 =	sshll.u32 s28, $0x1;
	[dreg:$0x2] =	wrdreg s5  }
0xab: {  	[dreg:$0x3] =	wrdreg s6  }
0xac: {  	[dreg:$0x4] =	wrdreg $0xC0  }
0xad: {  	_ =	task [dreg:s9], $0x5FFFF  }
0xae: {  	[dreg:$0x1] =	wrdreg $0xFFFFFFFF  }
0xaf: {  	[dreg:$0x0] =	wrdreg $0x60  }
0xb0: {  	[dreg:$0x2] =	wrdreg s19  }
0xb1: {  	[dreg:$0x3] =	wrdreg s2  }
0xb2: {  	[dreg:$0x4] =	wrdreg s4  }
0xb3: {  	[dreg:$0x5] =	wrdreg $0x9  }
0xb4: {  	_ =	task.clear_ibuf [dreg:s9], $0x6FFFF;
	_ =	strace $0x90000046  }
0xb5: {  	s29 =	simm.s32 $0x9;
	_ =	strace $0x80000048  }
0xb6: {  	_ =	swait.ge [sflag:s29], $0x1  }
0xb7: {  	[sflag:s29] =	ssyncadd.s32 $0xFFFFFFFF  }
0xb8: {  	_ =	strace $0x90000048  }
0xb9: {  	_ =	sfence  }
0xba: {  	s30 =	sld [smem:$0x0];
	_ =	sdelay $0x2  }
0xbb: {  	s31 =	sshll.u32 s1, $0xD;
	s1 =	sshrl.u32 s1, $0x2  }
0xbc: {  	s3 =	sand.u32 $0x4000, s31;
	s1 =	sadd.s32 s1, s30  }
0xbd: {  	s0 =	sor.u32 s3, s0;
	s1 =	sshll.u32 s1, $0x11  }
0xbe: {  	s0 =	sor.u32 s1, s0  }
0xbf: {  	s0 =	sadd.s32 $0x8F2B, s0  }
0xc0: {  	[sflag:s0] =	ssyncadd.remote.s32 $0x1  }
0xc1: {  	_ =	sfence.sel $0xFFFF  }
0xc2: {  	[dreg:$0x0] =	wrdreg $0xFFFFFFFF;
	(pc) =	sbr.abs _section_cstart, $3  }
0xc3: {  	[dreg:$0x1] =	wrdreg $0xFFFFFFFF  }
0xc4: {  	_ =	task.clear_ibuf [dreg:s9], $0x2FFFF;
	_ =	strace $0x9FFFFFFF  }
0xc5: {  	(tm) =	ssettm $0x7FFFFFFF  }
tec
execute0_lowered:
.L_overlay_start_1:
0x0: {  	(tag) =	ssettag $0x1  }
0x1: {  	s1 =	rddreg [dreg:$0x0]  }
0x2: {  	s2 =	srdreg.scid;
	s4 =	rddreg [dreg:$0x1]  }
0x3: {  	s0 =	stileid.u32;
	s5 =	rddreg [dreg:$0x2]  }
0x4: {  	s19 =	simm.s32 $0x880;
	s20 =	simm.s32 $0x1080;
	s22 =	simm.s32 $0x1880  }
0x5: {  	s23 =	simm.s32 $0x2080;
	s24 =	simm.s32 $0x2480;
	s25 =	simm.s32 $0x2C80  }
0x6: {  	s8 =	simm.s32 $0x3480;
	s2 =	sand.u32 $0x1, s2;
	s3 =	sshll.u32 s0, $0x1  }
0x7: {  	s9 =	simm.s32 $0x3C80;
	s6 =	sor.u32 s2, s3;
	s3 =	simm.s32 $0x0  }
0x8: {  	s26 =	simm.s32 $0x4480;
	s10 =	simm.s32 $0x80;
	[smem:$0x7FF] =	sst s3  }
0x9: {  	s12 =	simm.s32 $0x5080;
	_ =	strace $0x80000047;
	[dreg:$0x6] =	wrdreg s19  }
0xa: {  	s13 =	simm.s32 $0x5880;
	s14 =	simm.s32 $0x6080;
	[dreg:$0x7] =	wrdreg s20  }
0xb: {  	s15 =	simm.s32 $0x6880;
	s16 =	simm.s32 $0x6C80;
	[dreg:$0x8] =	wrdreg s22  }
0xc: {  	s17 =	simm.s32 $0x7480;
	s28 =	simm.s32 $0xBC80;
	[dreg:$0x9] =	wrdreg s23  }
0xd: {  	s29 =	simm.s32 $0xC480;
	s30 =	simm.s32 $0xCC80;
	[dreg:$0xa] =	wrdreg s24  }
0xe: {  	s31 =	simm.s32 $0xD480;
	s2 =	ssub.s32 $0x2, s2;
	[dreg:$0xb] =	wrdreg s25  }
0xf: {  	s7 =	smul.u32 $0x6, s6;
	s21 =	sshrl.u32 s2, $0x1;
	[dreg:$0xc] =	wrdreg s8  }
0x10: {  	s6 =	smul.u32 $0x1B00, s6;
	s2 =	ssub.s32 s2, s21;
	[dreg:$0xd] =	wrdreg s9  }
0x11: {  	s9 =	simm.s32 $0x2;
	[dreg:$0xe] =	wrdreg s26;
	s19 =	simm.s32 $0x8480  }
0x12: {  	s20 =	simm.s32 $0x8C80;
	s21 =	simm.s32 $0x9080;
	s22 =	simm.s32 $0x9880  }
0x13: {  	s23 =	simm.s32 $0xA080;
	s24 =	simm.s32 $0xA880;
	s25 =	simm.s32 $0xB080  }
0x14: {  	s26 =	simm.s32 $0xB480;
	s4 =	sadd.s32 s4, s7;
	s18 =	sadd.s32 s5, s6  }
0x15: {  	v2 =	vlaneseq.u32;
	s5 =	sadd.s32 $0x200, s1;
	s6 =	sadd.s32 $0x300, s1;
	s7 =	sadd.s32 $0x400, s1  }
0x16: {  	vm0 =	vmmov $0xffff;
	vm1 =	vmmov $0xff;
	v1 =	vshrl.u32 v2, $0x3;
	s8 =	smax.u32 s2, $0x1;
	s2 =	simm.s32 $0x1;
	[dreg:$0x4] =	wrdreg s4  }
0x17: {  	v0 =	vand.u32 $0x7, v2;
	v2 =	vor.u32 $0x8, v2;
	v1 =	vmul.u32 $0x8, v1;
	[dreg:$0x5] =	wrdreg s18;
	s4 =	sadd.s32 $0x100, s1;
	s18 =	simm.s32 $0x7C80  }
.LBB2_1:
0x18: {  	s0 =	rddreg [dreg:$0x4]  }
0x19: {  	[tilespmem:s3], [sflag:$0x2] =	stream.linear.gather [hbm4b:s0+s3], $0x30, $0x38;
	[tilespmem:$0xD880] =	vst v63  }
0x1a: {  	_ =	swait.ge [sflag:s9], $0x30  }
0x1b: {  	[sflag:s9] =	ssyncset.done $0x0  }
0x1c: {  	[sflag:s9] =	ssyncadd.s32 $0xFFFFFFD0  }
0x1d: {  	v3 =	vld [tilespmem:$0x0];
	_ =	sdelay $0x4  }
0x1e: {  	v4 =	vshrl.u32 v3, $0x3  }
0x1f: {  	v4 =	vmul.u32 $0x48, v4  }
0x20: {  	v3 =	vand.u32 $0x7, v3  }
0x21: {  	v3 =	vor.u32 v3, v4  }
0x22: {  	v4 =	vperm.xlane v3, v0;
	_ =	sdelay $0x1  }
0x23: {  	v4 =	vadd.s32 v1, v4;
	_ =	sdelay $0x4  }
0x24: {  	[tilespmem:s10], [sflag:$0x1] =	stream.indirect_vreg.gather [hbm4b:s1+s3], $0x80, v4, vm0, $0xb8;
	[tilespmem:$0xD880] =	vst v63  }
0x25: {  	s0 =	rddreg [dreg:$0x6]  }
0x26: {  	[tilespmem:s0], [sflag:$0x1] =	stream.indirect_vreg.gather [hbm4b:s4+s3], $0x80, v4, vm0, $0xb8;
	[tilespmem:$0xD880] =	vst v63  }
0x27: {  	s11 =	rddreg [dreg:$0x7];
	v3 =	vperm.xlane v3, v2  }
0x28: {  	[tilespmem:s11], [sflag:$0x1] =	stream.indirect_vreg.gather [hbm4b:s5+s3], $0x80, v4, vm0, $0xb8;
	[tilespmem:$0xD880] =	vst v63  }
0x29: {  	v3 =	vadd.s32 v1, v3;
	s0 =	rddreg [dreg:$0x8]  }
0x2a: {  	[tilespmem:s0], [sflag:$0x1] =	stream.indirect_vreg.gather [hbm4b:s6+s3], $0x80, v4, vm0, $0xb8;
	[tilespmem:$0xD880] =	vst v63  }
0x2b: {  	s11 =	rddreg [dreg:$0x9]  }
0x2c: {  	[tilespmem:s11], [sflag:$0x1] =	stream.indirect_vreg.gather [hbm4b:s7+s3], $0x80, v4, vm1, $0xb8;
	[tilespmem:$0xD880] =	vst v63  }
0x2d: {  	s0 =	rddreg [dreg:$0xa]  }
0x2e: {  	[tilespmem:s0], [sflag:$0x1] =	stream.indirect_vreg.gather [hbm4b:s1+s3], $0x80, v3, vm0, $0xb8;
	[tilespmem:$0xD880] =	vst v63  }
0x2f: {  	s11 =	rddreg [dreg:$0xb]  }
0x30: {  	[tilespmem:s11], [sflag:$0x1] =	stream.indirect_vreg.gather [hbm4b:s4+s3], $0x80, v3, vm0, $0xb8;
	[tilespmem:$0xD880] =	vst v63  }
0x31: {  	s0 =	rddreg [dreg:$0xc]  }
0x32: {  	[tilespmem:s0], [sflag:$0x1] =	stream.indirect_vreg.gather [hbm4b:s5+s3], $0x80, v3, vm0, $0xb8;
	[tilespmem:$0xD880] =	vst v63  }
0x33: {  	s11 =	rddreg [dreg:$0xd]  }
0x34: {  	[tilespmem:s11], [sflag:$0x1] =	stream.indirect_vreg.gather [hbm4b:s6+s3], $0x80, v3, vm0, $0xb8;
	[tilespmem:$0xD880] =	vst v63  }
0x35: {  	s0 =	rddreg [dreg:$0xe]  }
0x36: {  	[tilespmem:s0], [sflag:$0x1] =	stream.indirect_vreg.gather [hbm4b:s7+s3], $0x80, v3, vm1, $0xb8;
	[tilespmem:$0xD880] =	vst v63  }
0x37: {  	v3 =	vld [tilespmem:$0x10];
	_ =	sdelay $0x4  }
0x38: {  	v62 =	vshrl.u32 v3, $0x3  }
0x39: {  	v4 =	vmul.u32 $0x48, v62  }
0x3a: {  	v3 =	vand.u32 $0x7, v3  }
0x3b: {  	v3 =	vor.u32 v3, v4  }
0x3c: {  	v4 =	vperm.xlane v3, v0;
	_ =	sdelay $0x1  }
0x3d: {  	v4 =	vadd.s32 v1, v4;
	_ =	sdelay $0x3  }
0x3e: {  	s11 =	simm.s32 $0x4880  }
0x3f: {  	[tilespmem:s11], [sflag:$0x1] =	stream.indirect_vreg.gather [hbm4b:s1+s3], $0x80, v4, vm0, $0xb8;
	[tilespmem:$0xD880] =	vst v63  }
0x40: {  	_ = 	snop  }
0x41: {  	[tilespmem:s12], [sflag:$0x1] =	stream.indirect_vreg.gather [hbm4b:s4+s3], $0x80, v4, vm0, $0xb8;
	[tilespmem:$0xD880] =	vst v63  }
0x42: {  	v3 =	vperm.xlane v3, v2  }
0x43: {  	[tilespmem:s13], [sflag:$0x1] =	stream.indirect_vreg.gather [hbm4b:s5+s3], $0x80, v4, vm0, $0xb8;
	[tilespmem:$0xD880] =	vst v63  }
0x44: {  	v3 =	vadd.s32 v1, v3  }
0x45: {  	[tilespmem:s14], [sflag:$0x1] =	stream.indirect_vreg.gather [hbm4b:s6+s3], $0x80, v4, vm0, $0xb8;
	[tilespmem:$0xD880] =	vst v63  }
0x46: {  	_ = 	snop  }
0x47: {  	[tilespmem:s15], [sflag:$0x1] =	stream.indirect_vreg.gather [hbm4b:s7+s3], $0x80, v4, vm1, $0xb8;
	[tilespmem:$0xD880] =	vst v63  }
0x48: {  	_ = 	snop  }
0x49: {  	[tilespmem:s16], [sflag:$0x1] =	stream.indirect_vreg.gather [hbm4b:s1+s3], $0x80, v3, vm0, $0xb8;
	[tilespmem:$0xD880] =	vst v63  }
0x4a: {  	_ = 	snop  }
0x4b: {  	[tilespmem:s17], [sflag:$0x1] =	stream.indirect_vreg.gather [hbm4b:s4+s3], $0x80, v3, vm0, $0xb8;
	[tilespmem:$0xD880] =	vst v63  }
0x4c: {  	_ = 	snop  }
0x4d: {  	[tilespmem:s18], [sflag:$0x1] =	stream.indirect_vreg.gather [hbm4b:s5+s3], $0x80, v3, vm0, $0xb8;
	[tilespmem:$0xD880] =	vst v63  }
0x4e: {  	_ = 	snop  }
0x4f: {  	[tilespmem:s19], [sflag:$0x1] =	stream.indirect_vreg.gather [hbm4b:s6+s3], $0x80, v3, vm0, $0xb8;
	[tilespmem:$0xD880] =	vst v63  }
0x50: {  	_ = 	snop  }
0x51: {  	[tilespmem:s20], [sflag:$0x1] =	stream.indirect_vreg.gather [hbm4b:s7+s3], $0x80, v3, vm1, $0xb8;
	[tilespmem:$0xD880] =	vst v63  }
0x52: {  	v3 =	vld [tilespmem:$0x20];
	_ =	sdelay $0x4  }
0x53: {  	v63 =	vshrl.u32 v3, $0x3  }
0x54: {  	v4 =	vmul.u32 $0x48, v63  }
0x55: {  	v3 =	vand.u32 $0x7, v3  }
0x56: {  	v3 =	vor.u32 v3, v4  }
0x57: {  	v4 =	vperm.xlane v3, v0;
	_ =	sdelay $0x1  }
0x58: {  	v4 =	vadd.s32 v1, v4;
	_ =	sdelay $0x4  }
0x59: {  	[tilespmem:s21], [sflag:$0x1] =	stream.indirect_vreg.gather [hbm4b:s1+s3], $0x80, v4, vm0, $0xb8;
	[tilespmem:$0xD880] =	vst v63  }
0x5a: {  	_ = 	snop  }
0x5b: {  	[tilespmem:s22], [sflag:$0x1] =	stream.indirect_vreg.gather [hbm4b:s4+s3], $0x80, v4, vm0, $0xb8;
	[tilespmem:$0xD880] =	vst v63  }
0x5c: {  	v3 =	vperm.xlane v3, v2  }
0x5d: {  	[tilespmem:s23], [sflag:$0x1] =	stream.indirect_vreg.gather [hbm4b:s5+s3], $0x80, v4, vm0, $0xb8;
	[tilespmem:$0xD880] =	vst v63  }
0x5e: {  	v3 =	vadd.s32 v1, v3  }
0x5f: {  	[tilespmem:s24], [sflag:$0x1] =	stream.indirect_vreg.gather [hbm4b:s6+s3], $0x80, v4, vm0, $0xb8;
	[tilespmem:$0xD880] =	vst v63  }
0x60: {  	_ = 	snop  }
0x61: {  	[tilespmem:s25], [sflag:$0x1] =	stream.indirect_vreg.gather [hbm4b:s7+s3], $0x80, v4, vm1, $0xb8;
	[tilespmem:$0xD880] =	vst v63  }
0x62: {  	_ = 	snop  }
0x63: {  	[tilespmem:s26], [sflag:$0x1] =	stream.indirect_vreg.gather [hbm4b:s1+s3], $0x80, v3, vm0, $0xb8;
	[tilespmem:$0xD880] =	vst v63  }
0x64: {  	_ = 	snop  }
0x65: {  	[tilespmem:s28], [sflag:$0x1] =	stream.indirect_vreg.gather [hbm4b:s4+s3], $0x80, v3, vm0, $0xb8;
	[tilespmem:$0xD880] =	vst v63  }
0x66: {  	_ = 	snop  }
0x67: {  	[tilespmem:s29], [sflag:$0x1] =	stream.indirect_vreg.gather [hbm4b:s5+s3], $0x80, v3, vm0, $0xb8;
	[tilespmem:$0xD880] =	vst v63  }
0x68: {  	_ = 	snop  }
0x69: {  	[tilespmem:s30], [sflag:$0x1] =	stream.indirect_vreg.gather [hbm4b:s6+s3], $0x80, v3, vm0, $0xb8;
	[tilespmem:$0xD880] =	vst v63  }
0x6a: {  	_ = 	snop  }
0x6b: {  	[tilespmem:s31], [sflag:$0x1] =	stream.indirect_vreg.gather [hbm4b:s7+s3], $0x80, v3, vm1, $0xb8;
	[tilespmem:$0xD880] =	vst v63  }
0x6c: {  	_ =	swait.ge [sflag:s2], $0xD800  }
0x6d: {  	p0 =	sne.s32 s8, $0x1;
	[sflag:s2] =	ssyncset.done $0x0  }
.Ltmp0:
0x6e: {  	s11 =	rddreg [dreg:$0x5];
	[sflag:s2] =	ssyncadd.s32 $0xFFFF2800;
	(pc) =	sbr.rel @p0 .LBB2_1-.Ltmp0, $4  }
0x6f: {  	[hbm4b:s11+s3] =	stream.linear.scatter [tilespmem:s10], [sflag:$0x2], $0xD800, $0x38;
	[tilespmem:$0xD880] =	vst v63  }
0x70: {  	_ =	swait.ge [sflag:s9], $0xD800  }
0x71: {  	[sflag:s9] =	ssyncset.done $0x0  }
0x72: {  	s8 =	sadd.s32 $0xFFFFFFFF, s8;
	[sflag:s9] =	ssyncadd.s32 $0xFFFF2800  }
0x73: {  	_ =	sfence.sel $0x180000  }
0x74: {  	[bflag:$0x0] =	sbarrier.arrive $0xFFFF  }
0x75: {  	_ =	strace $0x90000047  }
0x76: {  	s0 =	stileid.u32;
	[bflag:$0x2] =	sbarrier.arrive $0xFFFF  }
0x77: {  	p0 =	sne.s32 s0, $0x0;
	s0 =	rddreg [dreg:$0x3]  }
0x78: {  	s0 =	sadd.s32 @!p0 $0x100000, s0  }
0x79: {  	[sflag:s0] =	ssyncadd.tile.s32 @!p0 $0x1;
	_ =	shalt  }
.Lfunc_end2:
_tile_overlayer_lowered:
.L_overlay_start_2:
0x7a: {  	(tag) =	ssettag $0x2  }
0x7b: {  	s0 =	rddreg [dreg:$0x0];
	s2 =	stileid.u32  }
0x7c: {  	s1 =	rddreg [dreg:$0x1];
	p0 =	sne.s32 s2, $0x0  }
0x7d: {  	s3 =	rddreg [dreg:$0x2];
	[bflag:$0x3] =	sbarrier.arrive $0xFFFF;
	s2 =	simm.s32 @!p0 $0x1C02  }
0x7e: {  	[timem:s3], [sflag:s2] =	dma.local @!p0 [hbm:s0], s1  }
0x7f: {  	s0 =	simm.s32 @!p0 $0x2  }
0x80: {  	_ =	swait.ge @!p0 [sflag:s0], s1  }
0x81: {  	s1 =	ssub.s32 @!p0 $0x0, s1;
	[sflag:s0] =	ssyncset.done @!p0 $0x0  }
0x82: {  	[sflag:s0] =	ssyncadd.s32 @!p0 s1  }
0x83: {  	[bflag:$0x3] =	sbarrier.arrive $0xFFFF  }
0x84: {  	_ =	shalt  }

// kernel: kernel.9.cloned.1.call-start
scs
__scs_entry_jumppad:
0x0: {  	(pc) =	sbr.rel $0x88, $3  }
0x1: {  	(tag) =	ssettag $0x0;
	lr =	simm.s32 $0x1  }
0x2: {  	[smem:$0x3F97] =	sst lr;
	_ =	strace $0xD0000000  }
0x3: {  	_ = 	snop  }
0x4: {  	_ = 	snop  }
0x5: {  	_ = 	snop  }
0x6: {  	_ = 	snop  }
0x7: {  	_ = 	snop  }
__scs_overlays_trampoline_lowered:
0x8: {  	[smem:$0x3FA6] =	sst s0  }
0x9: {  	[smem:$0x3FA7] =	sst s1  }
0xa: {  	[smem:$0x3FA8] =	sst s2  }
0xb: {  	[smem:$0x3FA9] =	sst s3  }
0xc: {  	[smem:$0x3FAA] =	sst s4  }
0xd: {  	[smem:$0x3FAB] =	sst s5  }
0xe: {  	[smem:$0x3FAC] =	sst s6  }
0xf: {  	[smem:$0x3FAD] =	sst s7  }
0x10: {  	[smem:$0x3FAE] =	sst s8  }
0x11: {  	[smem:$0x3FAF] =	sst s9;
	s0 =	simm.s32 @!p0 $0x0  }
0x12: {  	s1 =	sld [smem:$0x3F95];
	s0 =	simm.s32 @p0 $0x1  }
0x13: {  	[smem:$0x3FB0] =	sst s0;
	s0 =	simm.s32 @!p1 $0x0  }
0x14: {  	s2 =	sld [smem:$0x3F94];
	s0 =	simm.s32 @p1 $0x1  }
0x15: {  	[smem:$0x3FB1] =	sst s0;
	s0 =	simm.s32 @!p2 $0x0  }
0x16: {  	s3 =	sld [smem:$0x3FDB];
	s0 =	simm.s32 @p2 $0x1  }
0x17: {  	s4 =	simm.s32 $0x1BF5;
	[smem:$0x3FB3] =	sst s0  }
0x18: {  	s0 =	sld [smem:$0x3F96];
	_ =	swait.ge [sflag:s4], $0x0  }
0x19: {  	s7 =	sld [smem:$0x3F97]  }
0x1a: {  	s8 =	sadd.s32 $0xFFFFE003, lr  }
0x1b: {  	s9 =	sadd.s32 $0xFFFFFEF7, lr;
	s5 =	simm.s32 $0xFFFFFFFF;
	p2 =	slt.u32 s8, $0xFFFFF086  }
0x1c: {  	p1 =	slt.u32 s9, $0xF7A;
	s5 =	simm.s32 @!p2 $0x0  }
0x1d: {  	s5 =	simm.s32 @p1 $0x1;
	p0 =	seq.s32 s7, s2  }
0x1e: {  	s7 =	smul.u32 @!p0 $0xF7A, s2;
	p2 =	seq.s32 @!p0 s5, $0x0  }
0x1f: {  	s9 =	smul.u32 $0xF7A, s1;
	s8 =	simm.s32 @!p0 $0x1BF5;
	p2 =	por !p2, p0  }
0x20: {  	[sflag:s8] =	ssyncset.s32 @!p0 $0xFFFFF086;
	s6 =	sadd.s32 @!p0 s3, s7;
	s7 =	simm.s32 @!p0 $0x108  }
0x21: {  	s3 =	sadd.s32 s3, s9;
	s6 =	sadd.s32 @!p0 $0x88, s6;
	s7 =	simm.s32 @p2 $0x1082  }
0x22: {  	[simem:s7], [sflag:s8] =	dma.local @!p0 [hbm:s6], $0xF7A  }
0x23: {  	s9 =	sor.u32 $0xD0000000, s2;
	s6 =	simm.s32 $0x108;
	_ =	swait.ge @!p0 [sflag:s8], $0x0  }
0x24: {  	s3 =	sadd.s32 $0x88, s3;
	s6 =	simm.s32 @!p1 $0x1082;
	[sflag:s4] =	ssyncset.s32 $0xFFFFF086  }
0x25: {  	[simem:s6], [sflag:s4] =	dma.local [hbm:s3], $0xF7A  }
0x26: {  	[smem:$0x3F97] =	sst s1;
	(tag) =	ssettag s2;
	_ =	strace s9  }
0x27: {  	s1 =	sld [smem:$0x3FA7]  }
0x28: {  	s2 =	sld [smem:$0x3FA8]  }
0x29: {  	s4 =	sld [smem:$0x3FAA]  }
0x2a: {  	p0 =	seq.s32 s5, $0x0;
	s5 =	sld [smem:$0x3FAB]  }
0x2b: {  	s6 =	sld [smem:$0x3FAC]  }
0x2c: {  	s7 =	sld [smem:$0x3FAD]  }
0x2d: {  	s3 =	simm.s32 $0x108;
	s8 =	sld [smem:$0x3FAE]  }
0x2e: {  	s3 =	simm.s32 @!p0 $0x1082;
	s9 =	sld [smem:$0x3FAF]  }
0x2f: {  	lr =	sadd.s32 s0, s3;
	s0 =	sld [smem:$0x3FA6]  }
0x30: {  	s3 =	sld [smem:$0x3FA9]  }
0x31: {  	[smem:$0x3FB2] =	sst s10  }
0x32: {  	s10 =	sld [smem:$0x3FB0];
	_ =	sdelay $0x3  }
0x33: {  	p0 =	seq.s32 s10, $0x1;
	s10 =	sld [smem:$0x3FB2];
	_ =	sdelay $0x3  }
0x34: {  	[smem:$0x3FB2] =	sst s10  }
0x35: {  	s10 =	sld [smem:$0x3FB1];
	_ =	sdelay $0x3  }
0x36: {  	p1 =	seq.s32 s10, $0x1;
	s10 =	sld [smem:$0x3FB2];
	_ =	sdelay $0x3  }
0x37: {  	[smem:$0x3FB2] =	sst s10  }
0x38: {  	s10 =	sld [smem:$0x3FB3]  }
0x39: {  	_ = 	snop;
	(pc) =	sbr.ind lr, $3  }
0x3a: {  	_ = 	snop  }
0x3b: {  	_ = 	snop  }
0x3c: {  	p2 =	seq.s32 s10, $0x1;
	s10 =	sld [smem:$0x3FB2]  }
0x3d: {  	_ =	shalt  }
0x3e: {  	_ =	shalt  }
0x3f: {  	_ =	shalt  }
0x40: {  	_ =	shalt  }
0x41: {  	_ =	shalt  }
0x42: {  	_ =	shalt  }
0x43: {  	_ =	shalt  }
0x44: {  	_ =	shalt  }
0x45: {  	_ =	shalt  }
0x46: {  	_ =	shalt  }
0x47: {  	_ =	shalt  }
0x48: {  	_ =	shalt  }
0x49: {  	_ =	shalt  }
0x4a: {  	_ =	shalt  }
0x4b: {  	_ =	shalt  }
0x4c: {  	_ =	shalt  }
0x4d: {  	_ =	shalt  }
0x4e: {  	_ =	shalt  }
0x4f: {  	_ =	shalt  }
0x50: {  	_ =	shalt  }
0x51: {  	_ =	shalt  }
0x52: {  	_ =	shalt  }
0x53: {  	_ =	shalt  }
0x54: {  	_ =	shalt  }
0x55: {  	_ =	shalt  }
0x56: {  	_ =	shalt  }
0x57: {  	_ =	shalt  }
0x58: {  	_ =	shalt  }
0x59: {  	_ =	shalt  }
0x5a: {  	_ =	shalt  }
0x5b: {  	_ =	shalt  }
0x5c: {  	_ =	shalt  }
0x5d: {  	_ =	shalt  }
0x5e: {  	_ =	shalt  }
0x5f: {  	_ =	shalt  }
0x60: {  	_ =	shalt  }
0x61: {  	_ =	shalt  }
0x62: {  	_ =	shalt  }
0x63: {  	_ =	shalt  }
0x64: {  	_ =	shalt  }
0x65: {  	_ =	shalt  }
0x66: {  	_ =	shalt  }
0x67: {  	_ =	shalt  }
0x68: {  	_ =	shalt  }
0x69: {  	_ =	shalt  }
0x6a: {  	_ =	shalt  }
0x6b: {  	_ =	shalt  }
0x6c: {  	_ =	shalt  }
0x6d: {  	_ =	shalt  }
0x6e: {  	_ =	shalt  }
0x6f: {  	_ =	shalt  }
0x70: {  	_ =	shalt  }
0x71: {  	_ =	shalt  }
0x72: {  	_ =	shalt  }
0x73: {  	_ =	shalt  }
0x74: {  	_ =	shalt  }
0x75: {  	_ =	shalt  }
0x76: {  	_ =	shalt  }
0x77: {  	_ =	shalt  }
0x78: {  	_ =	shalt  }
0x79: {  	_ =	shalt  }
0x7a: {  	_ =	shalt  }
0x7b: {  	_ =	shalt  }
0x7c: {  	_ =	shalt  }
0x7d: {  	_ =	shalt  }
0x7e: {  	_ =	shalt  }
0x7f: {  	_ =	shalt  }
0x80: {  	_ =	shalt  }
0x81: {  	_ =	shalt  }
0x82: {  	_ =	shalt  }
0x83: {  	_ =	shalt  }
0x84: {  	_ =	shalt  }
0x85: {  	_ =	shalt  }
0x86: {  	_ =	shalt  }
0x87: {  	_ =	shalt  }
.Lfunc_end0:
.L_simem_size_0:
called_computation.1_lowered:
.L_overlay_start_0:
0x88: {  	s2 =	sld [smem:$0x3FD9]  }
0x89: {  	s3 =	sld [smem:$0x3FFE];
	_ =	sdelay $0x1  }
0x8a: {  	s1 =	srdreg.scid  }
0x8b: {  	s0 =	sand.u32 $0x1, s1  }
0x8c: {  	s17 =	sshll.u32 s0, $0xA;
	s2 =	sadd.s32 s3, s2  }
0x8d: {  	s2 =	sadd.s32 s2, s17  }
0x8e: {  	[smem:$0x3FBE] =	sst s2  }
0x8f: {  	_ = 	snop  }
0x90: {  	s18 =	sld [smem:$0x3FC9]  }
0x91: {  	s4 =	sld [smem:$0x3FC8];
	(tm) =	ssettm $0x1  }
0x92: {  	s19 =	sld [smem:$0x3FFB];
	_ =	sdelay $0x3  }
0x93: {  	_ =	strace s19  }
0x94: {  	s2 =	sld [smem:$0x3FFC];
	_ =	sdelay $0x3  }
0x95: {  	_ =	strace s2  }
0x96: {  	s2 =	sld [smem:$0x3FFD];
	_ =	sdelay $0x3  }
0x97: {  	_ =	strace s2  }
0x98: {  	_ =	strace $0x8FFFFFFF  }
0x99: {  	s20 =	sld [smem:$0x3FDB];
	_ =	sdelay $0x1  }
0x9a: {  	s5 =	simm.s32 $_scs_section_size  }
0x9b: {  	s6 =	simm.s32 $_size__tile_overlayer_lowered;
	s7 =	simm.s32 $_tile_overlayer_lowered  }
0x9c: {  	s8 =	simm.s32 $0x1BFF;
	s21 =	sshll.u32 s7, $0x1;
	s5 =	sadd.s32 s5, s20  }
0x9d: {  	s22 =	simm.s32 $0x0;
	s6 =	sshll.u32 s6, $0x1;
	s7 =	sadd.s32 s21, s5  }
0x9e: {  	[timem:s22], [sflag:s8] =	dma.local [hbm:s7], s6  }
0x9f: {  	_ =	swait.ge [sflag:s8], s6  }
0xa0: {  	s6 =	ssub.s32 $0x0, s6;
	[sflag:s8] =	ssyncset.done $0x0  }
0xa1: {  	[sflag:s8] =	ssyncadd.s32 s6;
	_ =	sdelay $0x1  }
0xa2: {  	s23 =	simm.s32 $0x1B8B  }
0xa3: {  	_ =	swait.ge [sflag:s23], $0x1  }
0xa4: {  	[sflag:s23] =	ssyncset.done $0x0  }
0xa5: {  	[sflag:s23] =	ssyncadd.s32 $0xFFFFFFFF  }
0xa6: {  	s6 =	sld [smem:$0x0]  }
0xa7: {  	s7 =	sand.u32 $0xFFFFFFFE, s1  }
0xa8: {  	p0 =	sne.s32 s1, s7  }
0xa9: {  	s7 =	sshll.u32 @p0 s7, $0xE  }
0xaa: {  	s7 =	sadd.s32 @p0 $0x11B8D, s7;
	s8 =	sshll.u32 @p0 s6, $0x11  }
0xab: {  	s7 =	sor.u32 @p0 s8, s7  }
0xac: {  	[sflag:s7] =	ssyncadd.remote.s32 @p0 $0x1;
	_ =	sdelay $0x1  }
0xad: {  	s7 =	simm.s32 @p0 $0x1B8D  }
0xae: {  	_ =	swait.eq @p0 [sflag:s7], $0x1  }
0xaf: {  	[sflag:s7] =	ssyncadd.s32 @p0 $0xFFFFFFFF  }
0xb0: {  	s8 =	sshll.u32 @!p0 s1, $0xE  }
0xb1: {  	s8 =	sor.u32 @!p0 $0x4000, s8;
	s7 =	simm.s32 @!p0 $0x1B8D  }
0xb2: {  	s6 =	sshll.u32 @!p0 s6, $0x11;
	s8 =	sadd.s32 @!p0 $0x11B8D, s8;
	_ =	swait.eq @!p0 [sflag:s7], $0x1  }
0xb3: {  	s6 =	sor.u32 @!p0 s6, s8;
	[sflag:s7] =	ssyncadd.s32 @!p0 $0xFFFFFFFF  }
0xb4: {  	s25 =	simm.s32 $0x1B8E;
	s24 =	sld [smem:$0x3FFE];
	[sflag:s6] =	ssyncadd.remote.s32 @!p0 $0x1  }
0xb5: {  	s26 =	simm.s32 $execute0_lowered;
	[smem:$0x3FD2] =	sst s25  }
0xb6: {  	s7 =	sshll.u32 s26, $0x1;
	_ =	strace $0x80000049;
	[dreg:$0x1] =	wrdreg $0xFFFFFFFF  }
0xb7: {  	s28 =	simm.s32 $_size_execute0_lowered;
	s5 =	sadd.s32 s5, s7;
	[dreg:$0x0] =	wrdreg $0x0  }
0xb8: {  	s7 =	sshll.u32 s28, $0x1;
	[dreg:$0x2] =	wrdreg s5  }
0xb9: {  	[dreg:$0x3] =	wrdreg s7  }
0xba: {  	[dreg:$0x4] =	wrdreg $0xC0  }
0xbb: {  	_ =	task [dreg:s22], $0x5FFFF  }
0xbc: {  	[dreg:$0x1] =	wrdreg $0xFFFFFFFF  }
0xbd: {  	[dreg:$0x0] =	wrdreg $0x60  }
0xbe: {  	[dreg:$0x2] =	wrdreg s4  }
0xbf: {  	[dreg:$0x3] =	wrdreg s18  }
0xc0: {  	[dreg:$0x4] =	wrdreg s24  }
0xc1: {  	[dreg:$0x5] =	wrdreg $0xA  }
0xc2: {  	_ =	task.clear_ibuf [dreg:s22], $0x6FFFF;
	_ =	strace $0x90000049  }
0xc3: {  	s29 =	simm.s32 $0xA;
	_ =	strace $0x8000004B  }
0xc4: {  	_ =	swait.ge [sflag:s29], $0x1  }
0xc5: {  	[sflag:s29] =	ssyncadd.s32 $0xFFFFFFFF  }
0xc6: {  	_ =	strace $0x9000004B  }
0xc7: {  	_ =	sfence  }
0xc8: {  	s30 =	sld [smem:$0x0];
	_ =	sdelay $0x2  }
0xc9: {  	s31 =	sshll.u32 s1, $0xD;
	s1 =	sshrl.u32 s1, $0x2  }
0xca: {  	s4 =	sand.u32 $0x4000, s31;
	s1 =	sadd.s32 s1, s30  }
0xcb: {  	s0 =	sor.u32 s4, s0;
	s1 =	sshll.u32 s1, $0x11  }
0xcc: {  	s0 =	sor.u32 s1, s0  }
0xcd: {  	s0 =	sadd.s32 $0x8F2B, s0  }
0xce: {  	[sflag:s0] =	ssyncadd.remote.s32 $0x1  }
0xcf: {  	_ =	sfence.sel $0xFFFF  }
0xd0: {  	[dreg:$0x0] =	wrdreg $0xFFFFFFFF;
	(pc) =	sbr.abs _section_cstart, $3  }
0xd1: {  	[dreg:$0x1] =	wrdreg $0xFFFFFFFF  }
0xd2: {  	_ =	task.clear_ibuf [dreg:s22], $0x2FFFF;
	_ =	strace $0x9FFFFFFF  }
0xd3: {  	(tm) =	ssettm $0x7FFFFFFF  }
tec
execute0_lowered:
.L_overlay_start_1:
0x0: {  	(tag) =	ssettag $0x1  }
0x1: {  	s1 =	srdreg.scid;
	s0 =	stileid.u32  }
0x2: {  	s1 =	sand.u32 $0x1, s1;
	s2 =	sshll.u32 s0, $0x1  }
0x3: {  	s3 =	sor.u32 s1, s2  }
0x4: {  	s4 =	rddreg [dreg:$0x1];
	s3 =	smul.u32 $0x50, s3  }
0x5: {  	s5 =	rddreg [dreg:$0x2]  }
0x6: {  	s2 =	rddreg [dreg:$0x0];
	s6 =	sshrl.u32 s3, $0x3;
	s3 =	simm.s32 $0x0  }
0x7: {  	s9 =	simm.s32 $0x880;
	[smem:$0x7FF] =	sst s3  }
0x8: {  	s10 =	simm.s32 $0x1080;
	_ =	strace $0x8000004A;
	[dreg:$0x6] =	wrdreg s9  }
0x9: {  	s11 =	simm.s32 $0x1880;
	[dreg:$0x7] =	wrdreg s10  }
0xa: {  	s12 =	simm.s32 $0x2080;
	[dreg:$0x8] =	wrdreg s11  }
0xb: {  	s13 =	simm.s32 $0x2480;
	[dreg:$0x9] =	wrdreg s12  }
0xc: {  	s14 =	simm.s32 $0x2C80;
	s15 =	simm.s32 $0x3480;
	[dreg:$0xa] =	wrdreg s13  }
0xd: {  	s16 =	simm.s32 $0x3C80;
	s17 =	simm.s32 $0x4480;
	[dreg:$0xb] =	wrdreg s14  }
0xe: {  	s18 =	simm.s32 $0x4880;
	s19 =	simm.s32 $0x5080;
	[dreg:$0xc] =	wrdreg s15  }
0xf: {  	s20 =	simm.s32 $0x5880;
	s22 =	simm.s32 $0x6080;
	[dreg:$0xd] =	wrdreg s16  }
0x10: {  	s23 =	simm.s32 $0x6880;
	s24 =	simm.s32 $0x6C80;
	[dreg:$0xe] =	wrdreg s17  }
0x11: {  	s25 =	simm.s32 $0x7480;
	s26 =	simm.s32 $0x8C80;
	[dreg:$0xf] =	wrdreg s18  }
0x12: {  	s28 =	simm.s32 $0x10480;
	s29 =	simm.s32 $0x10C80;
	[dreg:$0x10] =	wrdreg s19  }
0x13: {  	s30 =	simm.s32 $0x11480;
	s1 =	ssub.s32 $0x2, s1;
	[dreg:$0x11] =	wrdreg s20  }
0x14: {  	s31 =	simm.s32 $0x11C80;
	s21 =	sshrl.u32 s1, $0x1;
	[dreg:$0x12] =	wrdreg s22  }
0x15: {  	s1 =	ssub.s32 s1, s21;
	s21 =	simm.s32 $0xD880;
	[dreg:$0x13] =	wrdreg s23  }
0x16: {  	s7 =	smul.u32 $0x480, s6;
	s4 =	sadd.s32 s4, s6;
	[dreg:$0x14] =	wrdreg s24  }
0x17: {  	s6 =	sadd.s32 $0x300, s2;
	s4 =	sadd.s32 $0xC0, s4;
	[dreg:$0x15] =	wrdreg s25  }
0x18: {  	s9 =	simm.s32 $0x8480;
	s10 =	simm.s32 $0x80;
	[dreg:$0x18] =	wrdreg s26  }
0x19: {  	s12 =	simm.s32 $0x9880;
	s13 =	simm.s32 $0xA080;
	s14 =	simm.s32 $0xA880  }
0x1a: {  	s15 =	simm.s32 $0xB080;
	s16 =	simm.s32 $0xB480;
	s17 =	simm.s32 $0xBC80  }
0x1b: {  	s18 =	simm.s32 $0xC480;
	s19 =	simm.s32 $0xCC80;
	s20 =	simm.s32 $0xD480  }
0x1c: {  	s22 =	simm.s32 $0xE080;
	s23 =	simm.s32 $0xE880;
	s24 =	simm.s32 $0xF080  }
0x1d: {  	s25 =	simm.s32 $0xF880;
	s26 =	simm.s32 $0xFC80;
	s5 =	sadd.s32 s7, s5  }
0x1e: {  	[dreg:$0x4] =	wrdreg s4;
	s4 =	sadd.s32 $0x100, s2;
	s7 =	sadd.s32 $0x400, s2  }
0x1f: {  	v2 =	vlaneseq.u32;
	[dreg:$0x17] =	wrdreg s9;
	s9 =	simm.s32 $0x2;
	s8 =	sadd.s32 $0x1C00, s5  }
0x20: {  	vm0 =	vmmov $0xffff;
	vm1 =	vmmov $0xff;
	v1 =	vshrl.u32 v2, $0x3;
	s5 =	sadd.s32 $0x200, s2;
	[dreg:$0x5] =	wrdreg s8;
	s8 =	simm.s32 $0x7C80  }
0x21: {  	v0 =	vand.u32 $0x7, v2;
	v2 =	vor.u32 $0x8, v2;
	v1 =	vmul.u32 $0x8, v1;
	[dreg:$0x16] =	wrdreg s8;
	s8 =	smax.u32 s1, $0x1;
	s1 =	simm.s32 $0x1  }
.LBB2_1:
0x22: {  	s0 =	rddreg [dreg:$0x4]  }
0x23: {  	[tilespmem:s3], [sflag:$0x2] =	stream.linear.gather [hbm4b:s0+s3], $0x50, $0x38;
	[tilespmem:$0x12080] =	vst v63  }
0x24: {  	_ =	swait.ge [sflag:s9], $0x50  }
0x25: {  	[sflag:s9] =	ssyncset.done $0x0  }
0x26: {  	[sflag:s9] =	ssyncadd.s32 $0xFFFFFFB0  }
0x27: {  	v3 =	vld [tilespmem:$0x0];
	_ =	sdelay $0x4  }
0x28: {  	v4 =	vshrl.u32 v3, $0x3  }
0x29: {  	v4 =	vmul.u32 $0x48, v4  }
0x2a: {  	v3 =	vand.u32 $0x7, v3  }
0x2b: {  	v3 =	vor.u32 v3, v4  }
0x2c: {  	v4 =	vperm.xlane v3, v0;
	_ =	sdelay $0x1  }
0x2d: {  	v4 =	vadd.s32 v1, v4;
	_ =	sdelay $0x4  }
0x2e: {  	[tilespmem:s10], [sflag:$0x1] =	stream.indirect_vreg.gather [hbm4b:s2+s3], $0x80, v4, vm0, $0xb8;
	[tilespmem:$0x12080] =	vst v63  }
0x2f: {  	s0 =	rddreg [dreg:$0x6]  }
0x30: {  	[tilespmem:s0], [sflag:$0x1] =	stream.indirect_vreg.gather [hbm4b:s4+s3], $0x80, v4, vm0, $0xb8;
	[tilespmem:$0x12080] =	vst v63  }
0x31: {  	s11 =	rddreg [dreg:$0x7];
	v3 =	vperm.xlane v3, v2  }
0x32: {  	[tilespmem:s11], [sflag:$0x1] =	stream.indirect_vreg.gather [hbm4b:s5+s3], $0x80, v4, vm0, $0xb8;
	[tilespmem:$0x12080] =	vst v63  }
0x33: {  	v3 =	vadd.s32 v1, v3;
	s0 =	rddreg [dreg:$0x8]  }
0x34: {  	[tilespmem:s0], [sflag:$0x1] =	stream.indirect_vreg.gather [hbm4b:s6+s3], $0x80, v4, vm0, $0xb8;
	[tilespmem:$0x12080] =	vst v63  }
0x35: {  	s11 =	rddreg [dreg:$0x9]  }
0x36: {  	[tilespmem:s11], [sflag:$0x1] =	stream.indirect_vreg.gather [hbm4b:s7+s3], $0x80, v4, vm1, $0xb8;
	[tilespmem:$0x12080] =	vst v63  }
0x37: {  	s0 =	rddreg [dreg:$0xa]  }
0x38: {  	[tilespmem:s0], [sflag:$0x1] =	stream.indirect_vreg.gather [hbm4b:s2+s3], $0x80, v3, vm0, $0xb8;
	[tilespmem:$0x12080] =	vst v63  }
0x39: {  	s11 =	rddreg [dreg:$0xb]  }
0x3a: {  	[tilespmem:s11], [sflag:$0x1] =	stream.indirect_vreg.gather [hbm4b:s4+s3], $0x80, v3, vm0, $0xb8;
	[tilespmem:$0x12080] =	vst v63  }
0x3b: {  	s0 =	rddreg [dreg:$0xc]  }
0x3c: {  	[tilespmem:s0], [sflag:$0x1] =	stream.indirect_vreg.gather [hbm4b:s5+s3], $0x80, v3, vm0, $0xb8;
	[tilespmem:$0x12080] =	vst v63  }
0x3d: {  	s11 =	rddreg [dreg:$0xd]  }
0x3e: {  	[tilespmem:s11], [sflag:$0x1] =	stream.indirect_vreg.gather [hbm4b:s6+s3], $0x80, v3, vm0, $0xb8;
	[tilespmem:$0x12080] =	vst v63  }
0x3f: {  	s0 =	rddreg [dreg:$0xe]  }
0x40: {  	[tilespmem:s0], [sflag:$0x1] =	stream.indirect_vreg.gather [hbm4b:s7+s3], $0x80, v3, vm1, $0xb8;
	[tilespmem:$0x12080] =	vst v63  }
0x41: {  	v3 =	vld [tilespmem:$0x10];
	_ =	sdelay $0x4  }
0x42: {  	v61 =	vshrl.u32 v3, $0x3  }
0x43: {  	v4 =	vmul.u32 $0x48, v61  }
0x44: {  	v3 =	vand.u32 $0x7, v3  }
0x45: {  	v3 =	vor.u32 v3, v4  }
0x46: {  	v4 =	vperm.xlane v3, v0;
	_ =	sdelay $0x1  }
0x47: {  	v4 =	vadd.s32 v1, v4;
	_ =	sdelay $0x3  }
0x48: {  	s0 =	rddreg [dreg:$0xf]  }
0x49: {  	[tilespmem:s0], [sflag:$0x1] =	stream.indirect_vreg.gather [hbm4b:s2+s3], $0x80, v4, vm0, $0xb8;
	[tilespmem:$0x12080] =	vst v63  }
0x4a: {  	s11 =	rddreg [dreg:$0x10]  }
0x4b: {  	[tilespmem:s11], [sflag:$0x1] =	stream.indirect_vreg.gather [hbm4b:s4+s3], $0x80, v4, vm0, $0xb8;
	[tilespmem:$0x12080] =	vst v63  }
0x4c: {  	v3 =	vperm.xlane v3, v2;
	s0 =	rddreg [dreg:$0x11]  }
0x4d: {  	[tilespmem:s0], [sflag:$0x1] =	stream.indirect_vreg.gather [hbm4b:s5+s3], $0x80, v4, vm0, $0xb8;
	[tilespmem:$0x12080] =	vst v63  }
0x4e: {  	v3 =	vadd.s32 v1, v3;
	s11 =	rddreg [dreg:$0x12]  }
0x4f: {  	[tilespmem:s11], [sflag:$0x1] =	stream.indirect_vreg.gather [hbm4b:s6+s3], $0x80, v4, vm0, $0xb8;
	[tilespmem:$0x12080] =	vst v63  }
0x50: {  	s0 =	rddreg [dreg:$0x13]  }
0x51: {  	[tilespmem:s0], [sflag:$0x1] =	stream.indirect_vreg.gather [hbm4b:s7+s3], $0x80, v4, vm1, $0xb8;
	[tilespmem:$0x12080] =	vst v63  }
0x52: {  	s11 =	rddreg [dreg:$0x14]  }
0x53: {  	[tilespmem:s11], [sflag:$0x1] =	stream.indirect_vreg.gather [hbm4b:s2+s3], $0x80, v3, vm0, $0xb8;
	[tilespmem:$0x12080] =	vst v63  }
0x54: {  	s0 =	rddreg [dreg:$0x15]  }
0x55: {  	[tilespmem:s0], [sflag:$0x1] =	stream.indirect_vreg.gather [hbm4b:s4+s3], $0x80, v3, vm0, $0xb8;
	[tilespmem:$0x12080] =	vst v63  }
0x56: {  	s11 =	rddreg [dreg:$0x16]  }
0x57: {  	[tilespmem:s11], [sflag:$0x1] =	stream.indirect_vreg.gather [hbm4b:s5+s3], $0x80, v3, vm0, $0xb8;
	[tilespmem:$0x12080] =	vst v63  }
0x58: {  	s0 =	rddreg [dreg:$0x17]  }
0x59: {  	[tilespmem:s0], [sflag:$0x1] =	stream.indirect_vreg.gather [hbm4b:s6+s3], $0x80, v3, vm0, $0xb8;
	[tilespmem:$0x12080] =	vst v63  }
0x5a: {  	s11 =	rddreg [dreg:$0x18]  }
0x5b: {  	[tilespmem:s11], [sflag:$0x1] =	stream.indirect_vreg.gather [hbm4b:s7+s3], $0x80, v3, vm1, $0xb8;
	[tilespmem:$0x12080] =	vst v63  }
0x5c: {  	v3 =	vld [tilespmem:$0x20];
	_ =	sdelay $0x4  }
0x5d: {  	v62 =	vshrl.u32 v3, $0x3  }
0x5e: {  	v4 =	vmul.u32 $0x48, v62  }
0x5f: {  	v3 =	vand.u32 $0x7, v3  }
0x60: {  	v3 =	vor.u32 v3, v4  }
0x61: {  	v4 =	vperm.xlane v3, v0;
	_ =	sdelay $0x1  }
0x62: {  	v4 =	vadd.s32 v1, v4;
	_ =	sdelay $0x3  }
0x63: {  	s11 =	simm.s32 $0x9080  }
0x64: {  	[tilespmem:s11], [sflag:$0x1] =	stream.indirect_vreg.gather [hbm4b:s2+s3], $0x80, v4, vm0, $0xb8;
	[tilespmem:$0x12080] =	vst v63  }
0x65: {  	_ = 	snop  }
0x66: {  	[tilespmem:s12], [sflag:$0x1] =	stream.indirect_vreg.gather [hbm4b:s4+s3], $0x80, v4, vm0, $0xb8;
	[tilespmem:$0x12080] =	vst v63  }
0x67: {  	v3 =	vperm.xlane v3, v2  }
0x68: {  	[tilespmem:s13], [sflag:$0x1] =	stream.indirect_vreg.gather [hbm4b:s5+s3], $0x80, v4, vm0, $0xb8;
	[tilespmem:$0x12080] =	vst v63  }
0x69: {  	v3 =	vadd.s32 v1, v3  }
0x6a: {  	[tilespmem:s14], [sflag:$0x1] =	stream.indirect_vreg.gather [hbm4b:s6+s3], $0x80, v4, vm0, $0xb8;
	[tilespmem:$0x12080] =	vst v63  }
0x6b: {  	_ = 	snop  }
0x6c: {  	[tilespmem:s15], [sflag:$0x1] =	stream.indirect_vreg.gather [hbm4b:s7+s3], $0x80, v4, vm1, $0xb8;
	[tilespmem:$0x12080] =	vst v63  }
0x6d: {  	_ = 	snop  }
0x6e: {  	[tilespmem:s16], [sflag:$0x1] =	stream.indirect_vreg.gather [hbm4b:s2+s3], $0x80, v3, vm0, $0xb8;
	[tilespmem:$0x12080] =	vst v63  }
0x6f: {  	_ = 	snop  }
0x70: {  	[tilespmem:s17], [sflag:$0x1] =	stream.indirect_vreg.gather [hbm4b:s4+s3], $0x80, v3, vm0, $0xb8;
	[tilespmem:$0x12080] =	vst v63  }
0x71: {  	_ = 	snop  }
0x72: {  	[tilespmem:s18], [sflag:$0x1] =	stream.indirect_vreg.gather [hbm4b:s5+s3], $0x80, v3, vm0, $0xb8;
	[tilespmem:$0x12080] =	vst v63  }
0x73: {  	_ = 	snop  }
0x74: {  	[tilespmem:s19], [sflag:$0x1] =	stream.indirect_vreg.gather [hbm4b:s6+s3], $0x80, v3, vm0, $0xb8;
	[tilespmem:$0x12080] =	vst v63  }
0x75: {  	_ = 	snop  }
0x76: {  	[tilespmem:s20], [sflag:$0x1] =	stream.indirect_vreg.gather [hbm4b:s7+s3], $0x80, v3, vm1, $0xb8;
	[tilespmem:$0x12080] =	vst v63  }
0x77: {  	v3 =	vld [tilespmem:$0x30];
	_ =	sdelay $0x4  }
0x78: {  	v63 =	vshrl.u32 v3, $0x3  }
0x79: {  	v4 =	vmul.u32 $0x48, v63  }
0x7a: {  	v3 =	vand.u32 $0x7, v3  }
0x7b: {  	v3 =	vor.u32 v3, v4  }
0x7c: {  	v4 =	vperm.xlane v3, v0;
	_ =	sdelay $0x1  }
0x7d: {  	v4 =	vadd.s32 v1, v4;
	_ =	sdelay $0x4  }
0x7e: {  	[tilespmem:s21], [sflag:$0x1] =	stream.indirect_vreg.gather [hbm4b:s2+s3], $0x80, v4, vm0, $0xb8;
	[tilespmem:$0x12080] =	vst v63  }
0x7f: {  	_ = 	snop  }
0x80: {  	[tilespmem:s22], [sflag:$0x1] =	stream.indirect_vreg.gather [hbm4b:s4+s3], $0x80, v4, vm0, $0xb8;
	[tilespmem:$0x12080] =	vst v63  }
0x81: {  	v3 =	vperm.xlane v3, v2  }
0x82: {  	[tilespmem:s23], [sflag:$0x1] =	stream.indirect_vreg.gather [hbm4b:s5+s3], $0x80, v4, vm0, $0xb8;
	[tilespmem:$0x12080] =	vst v63  }
0x83: {  	v3 =	vadd.s32 v1, v3  }
0x84: {  	[tilespmem:s24], [sflag:$0x1] =	stream.indirect_vreg.gather [hbm4b:s6+s3], $0x80, v4, vm0, $0xb8;
	[tilespmem:$0x12080] =	vst v63  }
0x85: {  	_ = 	snop  }
0x86: {  	[tilespmem:s25], [sflag:$0x1] =	stream.indirect_vreg.gather [hbm4b:s7+s3], $0x80, v4, vm1, $0xb8;
	[tilespmem:$0x12080] =	vst v63  }
0x87: {  	_ = 	snop  }
0x88: {  	[tilespmem:s26], [sflag:$0x1] =	stream.indirect_vreg.gather [hbm4b:s2+s3], $0x80, v3, vm0, $0xb8;
	[tilespmem:$0x12080] =	vst v63  }
0x89: {  	_ = 	snop  }
0x8a: {  	[tilespmem:s28], [sflag:$0x1] =	stream.indirect_vreg.gather [hbm4b:s4+s3], $0x80, v3, vm0, $0xb8;
	[tilespmem:$0x12080] =	vst v63  }
0x8b: {  	_ = 	snop  }
0x8c: {  	[tilespmem:s29], [sflag:$0x1] =	stream.indirect_vreg.gather [hbm4b:s5+s3], $0x80, v3, vm0, $0xb8;
	[tilespmem:$0x12080] =	vst v63  }
0x8d: {  	_ = 	snop  }
0x8e: {  	[tilespmem:s30], [sflag:$0x1] =	stream.indirect_vreg.gather [hbm4b:s6+s3], $0x80, v3, vm0, $0xb8;
	[tilespmem:$0x12080] =	vst v63  }
0x8f: {  	_ = 	snop  }
0x90: {  	[tilespmem:s31], [sflag:$0x1] =	stream.indirect_vreg.gather [hbm4b:s7+s3], $0x80, v3, vm1, $0xb8;
	[tilespmem:$0x12080] =	vst v63  }
0x91: {  	_ =	swait.ge [sflag:s1], $0x12000  }
0x92: {  	p0 =	sne.s32 s8, $0x1;
	[sflag:s1] =	ssyncset.done $0x0  }
.Ltmp0:
0x93: {  	s11 =	rddreg [dreg:$0x5];
	[sflag:s1] =	ssyncadd.s32 $0xFFFEE000;
	(pc) =	sbr.rel @p0 .LBB2_1-.Ltmp0, $4  }
0x94: {  	[hbm4b:s11+s3] =	stream.linear.scatter [tilespmem:s10], [sflag:$0x2], $0x12000, $0x38;
	[tilespmem:$0x12080] =	vst v63  }
0x95: {  	_ =	swait.ge [sflag:s9], $0x12000  }
0x96: {  	[sflag:s9] =	ssyncset.done $0x0  }
0x97: {  	s8 =	sadd.s32 $0xFFFFFFFF, s8;
	[sflag:s9] =	ssyncadd.s32 $0xFFFEE000  }
0x98: {  	_ =	sfence.sel $0x180000  }
0x99: {  	[bflag:$0x0] =	sbarrier.arrive $0xFFFF  }
0x9a: {  	_ =	strace $0x9000004A  }
0x9b: {  	s0 =	stileid.u32;
	[bflag:$0x2] =	sbarrier.arrive $0xFFFF  }
0x9c: {  	p0 =	sne.s32 s0, $0x0;
	s0 =	rddreg [dreg:$0x3]  }
0x9d: {  	s0 =	sadd.s32 @!p0 $0x100000, s0  }
0x9e: {  	[sflag:s0] =	ssyncadd.tile.s32 @!p0 $0x1;
	_ =	shalt  }
.Lfunc_end2:
_tile_overlayer_lowered:
.L_overlay_start_2:
0x9f: {  	(tag) =	ssettag $0x2  }
0xa0: {  	s0 =	rddreg [dreg:$0x0];
	s2 =	stileid.u32  }
0xa1: {  	s1 =	rddreg [dreg:$0x1];
	p0 =	sne.s32 s2, $0x0  }
0xa2: {  	s3 =	rddreg [dreg:$0x2];
	[bflag:$0x3] =	sbarrier.arrive $0xFFFF;
	s2 =	simm.s32 @!p0 $0x1C02  }
0xa3: {  	[timem:s3], [sflag:s2] =	dma.local @!p0 [hbm:s0], s1  }
0xa4: {  	s0 =	simm.s32 @!p0 $0x2  }
0xa5: {  	_ =	swait.ge @!p0 [sflag:s0], s1  }
0xa6: {  	s1 =	ssub.s32 @!p0 $0x0, s1;
	[sflag:s0] =	ssyncset.done @!p0 $0x0  }
0xa7: {  	[sflag:s0] =	ssyncadd.s32 @!p0 s1  }
0xa8: {  	[bflag:$0x3] =	sbarrier.arrive $0xFFFF  }
0xa9: {  	_ =	shalt  }

</sc_bundles>
